<compile_context>
chip_gen: v7x
topology: tpu7x:2x2x1
jax: 0.10.2.dev20260603
libtpu: 0.0.44.dev20260713+nightly
codegen_flags: <defaults>
</compile_context>

<pallas_src>
import functools
import jax
import jax.numpy as jnp
from jax import lax
from jax.experimental import pallas as pl
from jax.experimental.pallas import tpu as pltpu
from jax.experimental.pallas import tpu_sc as plsc

L = 16
QB = 8
BIG = 3.0e38
F = 384


def _sc_body(N, p1_ref, p2_ref, out_ref, qx, qy, qz, cx, cy, cz, colp, ovec):
    b = lax.axis_index("s")
    h = lax.axis_index("c")
    HQ = qx.shape[0]
    M = cx.shape[0]
    NJ = M // L

    pltpu.sync_copy(p1_ref.at[pl.ds((b * 3 + 0) * N + h * HQ, HQ)], qx)
    pltpu.sync_copy(p1_ref.at[pl.ds((b * 3 + 1) * N + h * HQ, HQ)], qy)
    pltpu.sync_copy(p1_ref.at[pl.ds((b * 3 + 2) * N + h * HQ, HQ)], qz)
    pltpu.sync_copy(p2_ref.at[pl.ds((b * 3 + 0) * M, M)], cx)
    pltpu.sync_copy(p2_ref.at[pl.ds((b * 3 + 1) * M, M)], cy)
    pltpu.sync_copy(p2_ref.at[pl.ds((b * 3 + 2) * M, M)], cz)

    def init_col(j, carry):
        colp[pl.ds(j * L, L)] = jnp.full((L,), BIG, jnp.float32)
        return carry

    lax.fori_loop(0, NJ, init_col, 0)

    def qgroup(qg, d1s):
        base = qg * L
        qxv = qx[pl.ds(base, L)]
        qyv = qy[pl.ds(base, L)]
        qzv = qz[pl.ds(base, L)]
        for half in range(L // QB):
            bx = [jnp.full((L,), qxv[half * QB + r]) for r in range(QB)]
            by = [jnp.full((L,), qyv[half * QB + r]) for r in range(QB)]
            bz = [jnp.full((L,), qzv[half * QB + r]) for r in range(QB)]

            def inner(j, accs):
                cxv = cx[pl.ds(j * L, L)]
                cyv = cy[pl.ds(j * L, L)]
                czv = cz[pl.ds(j * L, L)]
                colv = colp[pl.ds(j * L, L)]
                out = []
                for r in range(QB):
                    dx = cxv - bx[r]
                    dy = cyv - by[r]
                    dz = czv - bz[r]
                    d = dx * dx + dy * dy + dz * dz
                    out.append(jnp.minimum(accs[r], d))
                    colv = jnp.minimum(colv, d)
                colp[pl.ds(j * L, L)] = colv
                return tuple(out)

            accs0 = tuple(jnp.full((L,), BIG, jnp.float32) for _ in range(QB))
            accs = lax.fori_loop(0, NJ, inner, accs0)
            lanes = lax.broadcasted_iota(jnp.int32, (L,), 0)
            for r in range(QB):
                v = accs[r]
                for k in (8, 4, 2, 1):
                    perm = jnp.bitwise_xor(lanes, k)
                    v = jnp.minimum(v, v.at[perm].get(mode="promise_in_bounds"))
                d1s = d1s + v[0]
        return d1s

    NQG = HQ // L
    d1_sum = lax.fori_loop(0, NQG, qgroup, jnp.zeros((), jnp.float32))

    w = b * 2 + h
    NW = 2 * 16
    ovec[...] = jnp.full((L,), d1_sum, jnp.float32)
    pltpu.sync_copy(ovec, out_ref.at[pl.ds(w * L, L)])
    pltpu.sync_copy(colp, out_ref.at[pl.ds(NW * L + w * M, M)])


def _sc_chamfer(p1t, p2t, nq):
    B, _, N = p1t.shape
    M = p2t.shape[2]
    HQ = nq // 2
    mesh = plsc.VectorSubcoreMesh(core_axis_name="c", subcore_axis_name="s")
    f = pl.kernel(
        functools.partial(_sc_body, N),
        out_type=jax.ShapeDtypeStruct((2 * B * (L + M),), jnp.float32),
        mesh=mesh,
        scratch_types=[
            pltpu.VMEM((HQ,), jnp.float32),
            pltpu.VMEM((HQ,), jnp.float32),
            pltpu.VMEM((HQ,), jnp.float32),
            pltpu.VMEM((M,), jnp.float32),
            pltpu.VMEM((M,), jnp.float32),
            pltpu.VMEM((M,), jnp.float32),
            pltpu.VMEM((M,), jnp.float32),
            pltpu.VMEM((L,), jnp.float32),
        ],
    )
    outf = f(p1t.reshape(-1), p2t.reshape(-1))
    d1f = outf[: 2 * B * L]
    d2f = outf[2 * B * L :]
    return d1f.reshape(2 * B, L), d2f.reshape(2 * B, M)


def _tc_block(x_ref, y_ref, sum_ref, col_ref):
    b = pl.program_id(0)
    x = x_ref[0]
    y = y_ref[0]
    d = None
    for c in range(3):
        diff = x[:, c : c + 1] - y[c : c + 1, :]
        sq = diff * diff
        d = sq if d is None else d + sq
    rowmin = jnp.min(d, axis=1).astype(jnp.float32)
    col_ref[0] = jnp.min(d, axis=0).astype(jnp.float32)[None, :]
    s = jnp.sum(rowmin)

    @pl.when(b == 0)
    def _init():
        sum_ref[...] = s[None, None]

    @pl.when(b != 0)
    def _acc():
        sum_ref[...] += s[None, None]


def _tc_chamfer(p1_rest, p2t):
    B, NR, _ = p1_rest.shape
    M = p2t.shape[2]
    return pl.pallas_call(
        _tc_block,
        grid=(B,),
        in_specs=[
            pl.BlockSpec((1, NR, 3), lambda b: (b, 0, 0)),
            pl.BlockSpec((1, 3, M), lambda b: (b, 0, 0)),
        ],
        out_specs=[
            pl.BlockSpec((1, 1), lambda b: (0, 0)),
            pl.BlockSpec((1, 1, M), lambda b: (b, 0, 0)),
        ],
        out_shape=[
            jax.ShapeDtypeStruct((1, 1), jnp.float32),
            jax.ShapeDtypeStruct((B, 1, M), jnp.float32),
        ],
    )(p1_rest.astype(jnp.bfloat16), p2t.astype(jnp.bfloat16))


def kernel(points1, points2):
    B, N, _ = points1.shape
    M = points2.shape[1]
    p1s = jnp.swapaxes(points1[:, :F, :], 1, 2)
    p2t = jnp.swapaxes(points2, 1, 2)

    d1sc, d2sc = _sc_chamfer(p1s, p2t, F)
    tcsum, tccol = _tc_chamfer(points1[:, F:, :], p2t)

    d1_total = jnp.sum(d1sc[:, 0]) + tcsum[0, 0]
    d2_all = jnp.minimum(jnp.minimum(d2sc[0::2], d2sc[1::2]), tccol[:, 0, :])
    total = d1_total + jnp.sum(d2_all)
    return total * (0.5 / N)

# --- scband reference (transcript-rebuilt; emitter-appended) ---
"""Pipeline reference for scband-chamfer-cuda-61194694033711 (READ-ONLY COPY).

The authoritative reference and input builder live on the scoring server;
editing this copy changes nothing except your own understanding.
"""

import jax, jax.numpy as jnp
import numpy as np


def setup_inputs(seed: int = 0) -> dict:
    key = jax.random.key(seed)
    k1, k2 = jax.random.split(key)
    points1 = jax.random.normal(k1, (16, 2048, 3), dtype=jnp.float32)
    points2 = jax.random.normal(k2, (16, 2048, 3), dtype=jnp.float32)
    return {"points1": points1, "points2": points2}


def reference(points1, points2):
    # Chamfer distance: for each point in points1, squared distance to nearest
    # point in points2, and vice versa (matches chamfer_3DDist CUDA kernel).
    avg_scale = 0.5
    # Pairwise squared distances [B, N, M]
    diff = points1[:, :, None, :] - points2[:, None, :, :]
    d = jnp.sum(diff * diff, axis=-1)
    dist1 = jnp.min(d, axis=2)  # [B, N] nearest in points2 for each of points1
    dist2 = jnp.min(d, axis=1)  # [B, M] nearest in points1 for each of points2
    cost = (jnp.mean(dist1, axis=-1) + jnp.mean(dist2, axis=-1)) * avg_scale
    return jnp.sum(cost)

if __name__ == "__main__":
    import jax
    _d = setup_inputs()
    print(jax.jit(kernel)(*tuple(_d.values())))

</pallas_src>

<mosaic_0001>
#map = affine_map<(d0, d1) -> (0)>
module attributes {stable_mosaic.version = 14 : i64} {
  func.func @_sc_body(%arg0: i32, %arg1: i32, %arg2: memref<18432xf32, #tpu.memory_space<hbm>>, %arg3: memref<98304xf32, #tpu.memory_space<hbm>>, %arg4: memref<66048xf32, #tpu.memory_space<hbm>>, %arg5: memref<192xf32, #tpu.memory_space<vmem>>, %arg6: memref<192xf32, #tpu.memory_space<vmem>>, %arg7: memref<192xf32, #tpu.memory_space<vmem>>, %arg8: memref<2048xf32, #tpu.memory_space<vmem>>, %arg9: memref<2048xf32, #tpu.memory_space<vmem>>, %arg10: memref<2048xf32, #tpu.memory_space<vmem>>, %arg11: memref<2048xf32, #tpu.memory_space<vmem>>, %arg12: memref<16xf32, #tpu.memory_space<vmem>>) attributes {dimension_semantics = [#tpu.dimension_semantics<core_parallel>, #tpu.dimension_semantics<subcore_parallel>], iteration_bounds = array<i64: 2, 16>, scalar_prefetch = 0 : i64, scratch_operands = 8 : i64, tpu.core_type = #tpu.core_type<sc_vector_subcore>, window_params = [{transform_indices = #map}, {transform_indices = #map}, {transform_indices = #map}]} {
    %mul3A = arith.constant 3 : i32
    %mul3A_0 = arith.muli %arg1, %mul3A : i32
    %add3A = arith.constant 0 : i32
    %add3A_1 = arith.addi %mul3A_0, %add3A : i32
    %mul3A_2 = arith.constant 384 : i32
    %mul3A_3 = arith.muli %add3A_1, %mul3A_2 : i32
    %mul3A_4 = arith.constant 192 : i32
    %mul3A_5 = arith.muli %arg0, %mul3A_4 : i32
    %add3A_6 = arith.addi %mul3A_3, %mul3A_5 : i32
    "tpu.region"() ({
      %run_scoped3A = tpu.sem_alloc : memref<!tpu.dma_semaphore, #tpu.memory_space<semaphore_mem>>
      %dma_start3A = tpu.memref_slice %arg2[%add3A_6] : memref<18432xf32, #tpu.memory_space<hbm>> -> memref<192xf32, #tpu.memory_space<hbm>>
      %dma_start3A_67 = tpu.memref_slice %arg2[%add3A_6] : memref<18432xf32, #tpu.memory_space<hbm>> -> memref<192xf32, #tpu.memory_space<hbm>>
      tpu.enqueue_dma source(%dma_start3A_67 : memref<192xf32, #tpu.memory_space<hbm>>) target(%arg5 : memref<192xf32, #tpu.memory_space<vmem>>) target_semaphore(%run_scoped3A : memref<!tpu.dma_semaphore, #tpu.memory_space<semaphore_mem>>)
      %dma_wait3A = tpu.memref_slice %arg2[%add3A_6] : memref<18432xf32, #tpu.memory_space<hbm>> -> memref<192xf32, #tpu.memory_space<hbm>>
      %dma_wait3A_68 = tpu.memref_slice %arg2[%add3A_6] : memref<18432xf32, #tpu.memory_space<hbm>> -> memref<192xf32, #tpu.memory_space<hbm>>
      tpu.wait_dma2 semaphore(%run_scoped3A : memref<!tpu.dma_semaphore, #tpu.memory_space<semaphore_mem>>) src(%dma_wait3A_68 : memref<192xf32, #tpu.memory_space<hbm>>) dst(%arg5 : memref<192xf32, #tpu.memory_space<vmem>>)
      tpu.yield
    }) : () -> ()
    %mul3A_7 = arith.constant 3 : i32
    %mul3A_8 = arith.muli %arg1, %mul3A_7 : i32
    %add3A_9 = arith.constant 1 : i32
    %add3A_10 = arith.addi %mul3A_8, %add3A_9 : i32
    %mul3A_11 = arith.constant 384 : i32
    %mul3A_12 = arith.muli %add3A_10, %mul3A_11 : i32
    %mul3A_13 = arith.constant 192 : i32
    %mul3A_14 = arith.muli %arg0, %mul3A_13 : i32
    %add3A_15 = arith.addi %mul3A_12, %mul3A_14 : i32
    "tpu.region"() ({
      %run_scoped3A = tpu.sem_alloc : memref<!tpu.dma_semaphore, #tpu.memory_space<semaphore_mem>>
      %dma_start3A = tpu.memref_slice %arg2[%add3A_15] : memref<18432xf32, #tpu.memory_space<hbm>> -> memref<192xf32, #tpu.memory_space<hbm>>
      %dma_start3A_67 = tpu.memref_slice %arg2[%add3A_15] : memref<18432xf32, #tpu.memory_space<hbm>> -> memref<192xf32, #tpu.memory_space<hbm>>
      tpu.enqueue_dma source(%dma_start3A_67 : memref<192xf32, #tpu.memory_space<hbm>>) target(%arg6 : memref<192xf32, #tpu.memory_space<vmem>>) target_semaphore(%run_scoped3A : memref<!tpu.dma_semaphore, #tpu.memory_space<semaphore_mem>>)
      %dma_wait3A = tpu.memref_slice %arg2[%add3A_15] : memref<18432xf32, #tpu.memory_space<hbm>> -> memref<192xf32, #tpu.memory_space<hbm>>
      %dma_wait3A_68 = tpu.memref_slice %arg2[%add3A_15] : memref<18432xf32, #tpu.memory_space<hbm>> -> memref<192xf32, #tpu.memory_space<hbm>>
      tpu.wait_dma2 semaphore(%run_scoped3A : memref<!tpu.dma_semaphore, #tpu.memory_space<semaphore_mem>>) src(%dma_wait3A_68 : memref<192xf32, #tpu.memory_space<hbm>>) dst(%arg6 : memref<192xf32, #tpu.memory_space<vmem>>)
      tpu.yield
    }) : () -> ()
    %mul3A_16 = arith.constant 3 : i32
    %mul3A_17 = arith.muli %arg1, %mul3A_16 : i32
    %add3A_18 = arith.constant 2 : i32
    %add3A_19 = arith.addi %mul3A_17, %add3A_18 : i32
    %mul3A_20 = arith.constant 384 : i32
    %mul3A_21 = arith.muli %add3A_19, %mul3A_20 : i32
    %mul3A_22 = arith.constant 192 : i32
    %mul3A_23 = arith.muli %arg0, %mul3A_22 : i32
    %add3A_24 = arith.addi %mul3A_21, %mul3A_23 : i32
    "tpu.region"() ({
      %run_scoped3A = tpu.sem_alloc : memref<!tpu.dma_semaphore, #tpu.memory_space<semaphore_mem>>
      %dma_start3A = tpu.memref_slice %arg2[%add3A_24] : memref<18432xf32, #tpu.memory_space<hbm>> -> memref<192xf32, #tpu.memory_space<hbm>>
      %dma_start3A_67 = tpu.memref_slice %arg2[%add3A_24] : memref<18432xf32, #tpu.memory_space<hbm>> -> memref<192xf32, #tpu.memory_space<hbm>>
      tpu.enqueue_dma source(%dma_start3A_67 : memref<192xf32, #tpu.memory_space<hbm>>) target(%arg7 : memref<192xf32, #tpu.memory_space<vmem>>) target_semaphore(%run_scoped3A : memref<!tpu.dma_semaphore, #tpu.memory_space<semaphore_mem>>)
      %dma_wait3A = tpu.memref_slice %arg2[%add3A_24] : memref<18432xf32, #tpu.memory_space<hbm>> -> memref<192xf32, #tpu.memory_space<hbm>>
      %dma_wait3A_68 = tpu.memref_slice %arg2[%add3A_24] : memref<18432xf32, #tpu.memory_space<hbm>> -> memref<192xf32, #tpu.memory_space<hbm>>
      tpu.wait_dma2 semaphore(%run_scoped3A : memref<!tpu.dma_semaphore, #tpu.memory_space<semaphore_mem>>) src(%dma_wait3A_68 : memref<192xf32, #tpu.memory_space<hbm>>) dst(%arg7 : memref<192xf32, #tpu.memory_space<vmem>>)
      tpu.yield
    }) : () -> ()
    %mul3A_25 = arith.constant 3 : i32
    %mul3A_26 = arith.muli %arg1, %mul3A_25 : i32
    %add3A_27 = arith.constant 0 : i32
    %add3A_28 = arith.addi %mul3A_26, %add3A_27 : i32
    %mul3A_29 = arith.constant 2048 : i32
    %mul3A_30 = arith.muli %add3A_28, %mul3A_29 : i32
    "tpu.region"() ({
      %run_scoped3A = tpu.sem_alloc : memref<!tpu.dma_semaphore, #tpu.memory_space<semaphore_mem>>
      %dma_start3A = tpu.memref_slice %arg3[%mul3A_30] : memref<98304xf32, #tpu.memory_space<hbm>> -> memref<2048xf32, #tpu.memory_space<hbm>>
      %dma_start3A_67 = tpu.memref_slice %arg3[%mul3A_30] : memref<98304xf32, #tpu.memory_space<hbm>> -> memref<2048xf32, #tpu.memory_space<hbm>>
      tpu.enqueue_dma source(%dma_start3A_67 : memref<2048xf32, #tpu.memory_space<hbm>>) target(%arg8 : memref<2048xf32, #tpu.memory_space<vmem>>) target_semaphore(%run_scoped3A : memref<!tpu.dma_semaphore, #tpu.memory_space<semaphore_mem>>)
      %dma_wait3A = tpu.memref_slice %arg3[%mul3A_30] : memref<98304xf32, #tpu.memory_space<hbm>> -> memref<2048xf32, #tpu.memory_space<hbm>>
      %dma_wait3A_68 = tpu.memref_slice %arg3[%mul3A_30] : memref<98304xf32, #tpu.memory_space<hbm>> -> memref<2048xf32, #tpu.memory_space<hbm>>
      tpu.wait_dma2 semaphore(%run_scoped3A : memref<!tpu.dma_semaphore, #tpu.memory_space<semaphore_mem>>) src(%dma_wait3A_68 : memref<2048xf32, #tpu.memory_space<hbm>>) dst(%arg8 : memref<2048xf32, #tpu.memory_space<vmem>>)
      tpu.yield
    }) : () -> ()
    %mul3A_31 = arith.constant 3 : i32
    %mul3A_32 = arith.muli %arg1, %mul3A_31 : i32
    %add3A_33 = arith.constant 1 : i32
    %add3A_34 = arith.addi %mul3A_32, %add3A_33 : i32
    %mul3A_35 = arith.constant 2048 : i32
    %mul3A_36 = arith.muli %add3A_34, %mul3A_35 : i32
    "tpu.region"() ({
      %run_scoped3A = tpu.sem_alloc : memref<!tpu.dma_semaphore, #tpu.memory_space<semaphore_mem>>
      %dma_start3A = tpu.memref_slice %arg3[%mul3A_36] : memref<98304xf32, #tpu.memory_space<hbm>> -> memref<2048xf32, #tpu.memory_space<hbm>>
      %dma_start3A_67 = tpu.memref_slice %arg3[%mul3A_36] : memref<98304xf32, #tpu.memory_space<hbm>> -> memref<2048xf32, #tpu.memory_space<hbm>>
      tpu.enqueue_dma source(%dma_start3A_67 : memref<2048xf32, #tpu.memory_space<hbm>>) target(%arg9 : memref<2048xf32, #tpu.memory_space<vmem>>) target_semaphore(%run_scoped3A : memref<!tpu.dma_semaphore, #tpu.memory_space<semaphore_mem>>)
      %dma_wait3A = tpu.memref_slice %arg3[%mul3A_36] : memref<98304xf32, #tpu.memory_space<hbm>> -> memref<2048xf32, #tpu.memory_space<hbm>>
      %dma_wait3A_68 = tpu.memref_slice %arg3[%mul3A_36] : memref<98304xf32, #tpu.memory_space<hbm>> -> memref<2048xf32, #tpu.memory_space<hbm>>
      tpu.wait_dma2 semaphore(%run_scoped3A : memref<!tpu.dma_semaphore, #tpu.memory_space<semaphore_mem>>) src(%dma_wait3A_68 : memref<2048xf32, #tpu.memory_space<hbm>>) dst(%arg9 : memref<2048xf32, #tpu.memory_space<vmem>>)
      tpu.yield
    }) : () -> ()
    %mul3A_37 = arith.constant 3 : i32
    %mul3A_38 = arith.muli %arg1, %mul3A_37 : i32
    %add3A_39 = arith.constant 2 : i32
    %add3A_40 = arith.addi %mul3A_38, %add3A_39 : i32
    %mul3A_41 = arith.constant 2048 : i32
    %mul3A_42 = arith.muli %add3A_40, %mul3A_41 : i32
    "tpu.region"() ({
      %run_scoped3A = tpu.sem_alloc : memref<!tpu.dma_semaphore, #tpu.memory_space<semaphore_mem>>
      %dma_start3A = tpu.memref_slice %arg3[%mul3A_42] : memref<98304xf32, #tpu.memory_space<hbm>> -> memref<2048xf32, #tpu.memory_space<hbm>>
      %dma_start3A_67 = tpu.memref_slice %arg3[%mul3A_42] : memref<98304xf32, #tpu.memory_space<hbm>> -> memref<2048xf32, #tpu.memory_space<hbm>>
      tpu.enqueue_dma source(%dma_start3A_67 : memref<2048xf32, #tpu.memory_space<hbm>>) target(%arg10 : memref<2048xf32, #tpu.memory_space<vmem>>) target_semaphore(%run_scoped3A : memref<!tpu.dma_semaphore, #tpu.memory_space<semaphore_mem>>)
      %dma_wait3A = tpu.memref_slice %arg3[%mul3A_42] : memref<98304xf32, #tpu.memory_space<hbm>> -> memref<2048xf32, #tpu.memory_space<hbm>>
      %dma_wait3A_68 = tpu.memref_slice %arg3[%mul3A_42] : memref<98304xf32, #tpu.memory_space<hbm>> -> memref<2048xf32, #tpu.memory_space<hbm>>
      tpu.wait_dma2 semaphore(%run_scoped3A : memref<!tpu.dma_semaphore, #tpu.memory_space<semaphore_mem>>) src(%dma_wait3A_68 : memref<2048xf32, #tpu.memory_space<hbm>>) dst(%arg10 : memref<2048xf32, #tpu.memory_space<vmem>>)
      tpu.yield
    }) : () -> ()
    %scan3A = arith.constant 0 : i32
    %scan3A_43 = arith.constant 0 : i32
    %scan3A_44 = arith.constant 128 : i32
    %scan3A_45 = arith.addi %scan3A_43, %scan3A_44 : i32
    %scan3A_46 = arith.constant 1 : i32
    scf.for %scan3A_67 = %scan3A_43 to %scan3A_45 step %scan3A_46  : i32 {
      %broadcast_in_dim3A_68 = arith.constant 3.000000e+38 : f32
      %broadcast_in_dim3A_69 = vector.broadcast %broadcast_in_dim3A_68 : f32 to vector<16xf32>
      %mul3A_70 = arith.constant 16 : i32
      %mul3A_71 = arith.muli %scan3A_67, %mul3A_70 : i32
      %swap3A_72 = arith.index_cast %mul3A_71 : i32 to index
      %swap3A_73 = tpu.vector_load %arg11[%swap3A_72] {strides = array<i32>} : memref<2048xf32, #tpu.memory_space<vmem>>, vector<16xf32>,
      %swap3A_74 = vector.shape_cast %swap3A_73 : vector<16xf32> to vector<16xf32>
      %swap3A_75 = vector.shape_cast %broadcast_in_dim3A_69 : vector<16xf32> to vector<16xf32>
      tpu.vector_store %arg11[%swap3A_72], %swap3A_75 {strides = array<i32>} : memref<2048xf32, #tpu.memory_space<vmem>>, vector<16xf32>,
    }
    %scan3A_47 = arith.constant 128 : i32
    %scan3A_48 = arith.constant 0.000000e+00 : f32
    %scan3A_49 = arith.constant 0 : i32
    %scan3A_50 = arith.constant 12 : i32
    %scan3A_51 = arith.addi %scan3A_49, %scan3A_50 : i32
    %scan3A_52 = arith.constant 1 : i32
    %scan3A_53 = scf.for %scan3A_67 = %scan3A_49 to %scan3A_51 step %scan3A_52 iter_args(%scan3A_68 = %scan3A_48) -> (f32)  : i32 {
      %mul3A_69 = arith.constant 16 : i32
      %mul3A_70 = arith.muli %scan3A_67, %mul3A_69 : i32
      %get3A = arith.index_cast %mul3A_70 : i32 to index
      %get3A_71 = tpu.vector_load %arg5[%get3A] {strides = array<i32>} : memref<192xf32, #tpu.memory_space<vmem>>, vector<16xf32>,
      %get3A_72 = vector.shape_cast %get3A_71 : vector<16xf32> to vector<16xf32>
      %get3A_73 = arith.index_cast %mul3A_70 : i32 to index
      %get3A_74 = tpu.vector_load %arg6[%get3A_73] {strides = array<i32>} : memref<192xf32, #tpu.memory_space<vmem>>, vector<16xf32>,
      %get3A_75 = vector.shape_cast %get3A_74 : vector<16xf32> to vector<16xf32>
      %get3A_76 = arith.index_cast %mul3A_70 : i32 to index
      %get3A_77 = tpu.vector_load %arg7[%get3A_76] {strides = array<i32>} : memref<192xf32, #tpu.memory_space<vmem>>, vector<16xf32>,
      %get3A_78 = vector.shape_cast %get3A_77 : vector<16xf32> to vector<16xf32>
      %slice3A = vector.extract_strided_slice %get3A_72 {offsets = [0], sizes = [1], strides = [1]} : vector<16xf32> to vector<1xf32>
      %squeeze3A = vector.extract %slice3A[0] : f32 from vector<1xf32>
      %broadcast_in_dim3A_79 = vector.broadcast %squeeze3A : f32 to vector<16xf32>
      %slice3A_80 = vector.extract_strided_slice %get3A_72 {offsets = [1], sizes = [1], strides = [1]} : vector<16xf32> to vector<1xf32>
      %squeeze3A_81 = vector.extract %slice3A_80[0] : f32 from vector<1xf32>
      %broadcast_in_dim3A_82 = vector.broadcast %squeeze3A_81 : f32 to vector<16xf32>
      %slice3A_83 = vector.extract_strided_slice %get3A_72 {offsets = [2], sizes = [1], strides = [1]} : vector<16xf32> to vector<1xf32>
      %squeeze3A_84 = vector.extract %slice3A_83[0] : f32 from vector<1xf32>
      %broadcast_in_dim3A_85 = vector.broadcast %squeeze3A_84 : f32 to vector<16xf32>
      %slice3A_86 = vector.extract_strided_slice %get3A_72 {offsets = [3], sizes = [1], strides = [1]} : vector<16xf32> to vector<1xf32>
      %squeeze3A_87 = vector.extract %slice3A_86[0] : f32 from vector<1xf32>
      %broadcast_in_dim3A_88 = vector.broadcast %squeeze3A_87 : f32 to vector<16xf32>
      %slice3A_89 = vector.extract_strided_slice %get3A_72 {offsets = [4], sizes = [1], strides = [1]} : vector<16xf32> to vector<1xf32>
      %squeeze3A_90 = vector.extract %slice3A_89[0] : f32 from vector<1xf32>
      %broadcast_in_dim3A_91 = vector.broadcast %squeeze3A_90 : f32 to vector<16xf32>
      %slice3A_92 = vector.extract_strided_slice %get3A_72 {offsets = [5], sizes = [1], strides = [1]} : vector<16xf32> to vector<1xf32>
      %squeeze3A_93 = vector.extract %slice3A_92[0] : f32 from vector<1xf32>
      %broadcast_in_dim3A_94 = vector.broadcast %squeeze3A_93 : f32 to vector<16xf32>
      %slice3A_95 = vector.extract_strided_slice %get3A_72 {offsets = [6], sizes = [1], strides = [1]} : vector<16xf32> to vector<1xf32>
      %squeeze3A_96 = vector.extract %slice3A_95[0] : f32 from vector<1xf32>
      %broadcast_in_dim3A_97 = vector.broadcast %squeeze3A_96 : f32 to vector<16xf32>
      %slice3A_98 = vector.extract_strided_slice %get3A_72 {offsets = [7], sizes = [1], strides = [1]} : vector<16xf32> to vector<1xf32>
      %squeeze3A_99 = vector.extract %slice3A_98[0] : f32 from vector<1xf32>
      %broadcast_in_dim3A_100 = vector.broadcast %squeeze3A_99 : f32 to vector<16xf32>
      %slice3A_101 = vector.extract_strided_slice %get3A_75 {offsets = [0], sizes = [1], strides = [1]} : vector<16xf32> to vector<1xf32>
      %squeeze3A_102 = vector.extract %slice3A_101[0] : f32 from vector<1xf32>
      %broadcast_in_dim3A_103 = vector.broadcast %squeeze3A_102 : f32 to vector<16xf32>
      %slice3A_104 = vector.extract_strided_slice %get3A_75 {offsets = [1], sizes = [1], strides = [1]} : vector<16xf32> to vector<1xf32>
      %squeeze3A_105 = vector.extract %slice3A_104[0] : f32 from vector<1xf32>
      %broadcast_in_dim3A_106 = vector.broadcast %squeeze3A_105 : f32 to vector<16xf32>
      %slice3A_107 = vector.extract_strided_slice %get3A_75 {offsets = [2], sizes = [1], strides = [1]} : vector<16xf32> to vector<1xf32>
      %squeeze3A_108 = vector.extract %slice3A_107[0] : f32 from vector<1xf32>
      %broadcast_in_dim3A_109 = vector.broadcast %squeeze3A_108 : f32 to vector<16xf32>
      %slice3A_110 = vector.extract_strided_slice %get3A_75 {offsets = [3], sizes = [1], strides = [1]} : vector<16xf32> to vector<1xf32>
      %squeeze3A_111 = vector.extract %slice3A_110[0] : f32 from vector<1xf32>
      %broadcast_in_dim3A_112 = vector.broadcast %squeeze3A_111 : f32 to vector<16xf32>
      %slice3A_113 = vector.extract_strided_slice %get3A_75 {offsets = [4], sizes = [1], strides = [1]} : vector<16xf32> to vector<1xf32>
      %squeeze3A_114 = vector.extract %slice3A_113[0] : f32 from vector<1xf32>
      %broadcast_in_dim3A_115 = vector.broadcast %squeeze3A_114 : f32 to vector<16xf32>
      %slice3A_116 = vector.extract_strided_slice %get3A_75 {offsets = [5], sizes = [1], strides = [1]} : vector<16xf32> to vector<1xf32>
      %squeeze3A_117 = vector.extract %slice3A_116[0] : f32 from vector<1xf32>
      %broadcast_in_dim3A_118 = vector.broadcast %squeeze3A_117 : f32 to vector<16xf32>
      %slice3A_119 = vector.extract_strided_slice %get3A_75 {offsets = [6], sizes = [1], strides = [1]} : vector<16xf32> to vector<1xf32>
      %squeeze3A_120 = vector.extract %slice3A_119[0] : f32 from vector<1xf32>
      %broadcast_in_dim3A_121 = vector.broadcast %squeeze3A_120 : f32 to vector<16xf32>
      %slice3A_122 = vector.extract_strided_slice %get3A_75 {offsets = [7], sizes = [1], strides = [1]} : vector<16xf32> to vector<1xf32>
      %squeeze3A_123 = vector.extract %slice3A_122[0] : f32 from vector<1xf32>
      %broadcast_in_dim3A_124 = vector.broadcast %squeeze3A_123 : f32 to vector<16xf32>
      %slice3A_125 = vector.extract_strided_slice %get3A_78 {offsets = [0], sizes = [1], strides = [1]} : vector<16xf32> to vector<1xf32>
      %squeeze3A_126 = vector.extract %slice3A_125[0] : f32 from vector<1xf32>
      %broadcast_in_dim3A_127 = vector.broadcast %squeeze3A_126 : f32 to vector<16xf32>
      %slice3A_128 = vector.extract_strided_slice %get3A_78 {offsets = [1], sizes = [1], strides = [1]} : vector<16xf32> to vector<1xf32>
      %squeeze3A_129 = vector.extract %slice3A_128[0] : f32 from vector<1xf32>
      %broadcast_in_dim3A_130 = vector.broadcast %squeeze3A_129 : f32 to vector<16xf32>
      %slice3A_131 = vector.extract_strided_slice %get3A_78 {offsets = [2], sizes = [1], strides = [1]} : vector<16xf32> to vector<1xf32>
      %squeeze3A_132 = vector.extract %slice3A_131[0] : f32 from vector<1xf32>
      %broadcast_in_dim3A_133 = vector.broadcast %squeeze3A_132 : f32 to vector<16xf32>
      %slice3A_134 = vector.extract_strided_slice %get3A_78 {offsets = [3], sizes = [1], strides = [1]} : vector<16xf32> to vector<1xf32>
      %squeeze3A_135 = vector.extract %slice3A_134[0] : f32 from vector<1xf32>
      %broadcast_in_dim3A_136 = vector.broadcast %squeeze3A_135 : f32 to vector<16xf32>
      %slice3A_137 = vector.extract_strided_slice %get3A_78 {offsets = [4], sizes = [1], strides = [1]} : vector<16xf32> to vector<1xf32>
      %squeeze3A_138 = vector.extract %slice3A_137[0] : f32 from vector<1xf32>
      %broadcast_in_dim3A_139 = vector.broadcast %squeeze3A_138 : f32 to vector<16xf32>
      %slice3A_140 = vector.extract_strided_slice %get3A_78 {offsets = [5], sizes = [1], strides = [1]} : vector<16xf32> to vector<1xf32>
      %squeeze3A_141 = vector.extract %slice3A_140[0] : f32 from vector<1xf32>
      %broadcast_in_dim3A_142 = vector.broadcast %squeeze3A_141 : f32 to vector<16xf32>
      %slice3A_143 = vector.extract_strided_slice %get3A_78 {offsets = [6], sizes = [1], strides = [1]} : vector<16xf32> to vector<1xf32>
      %squeeze3A_144 = vector.extract %slice3A_143[0] : f32 from vector<1xf32>
      %broadcast_in_dim3A_145 = vector.broadcast %squeeze3A_144 : f32 to vector<16xf32>
      %slice3A_146 = vector.extract_strided_slice %get3A_78 {offsets = [7], sizes = [1], strides = [1]} : vector<16xf32> to vector<1xf32>
      %squeeze3A_147 = vector.extract %slice3A_146[0] : f32 from vector<1xf32>
      %broadcast_in_dim3A_148 = vector.broadcast %squeeze3A_147 : f32 to vector<16xf32>
      %broadcast_in_dim3A_149 = arith.constant 3.000000e+38 : f32
      %broadcast_in_dim3A_150 = vector.broadcast %broadcast_in_dim3A_149 : f32 to vector<16xf32>
      %broadcast_in_dim3A_151 = arith.constant 3.000000e+38 : f32
      %broadcast_in_dim3A_152 = vector.broadcast %broadcast_in_dim3A_151 : f32 to vector<16xf32>
      %broadcast_in_dim3A_153 = arith.constant 3.000000e+38 : f32
      %broadcast_in_dim3A_154 = vector.broadcast %broadcast_in_dim3A_153 : f32 to vector<16xf32>
      %broadcast_in_dim3A_155 = arith.constant 3.000000e+38 : f32
      %broadcast_in_dim3A_156 = vector.broadcast %broadcast_in_dim3A_155 : f32 to vector<16xf32>
      %broadcast_in_dim3A_157 = arith.constant 3.000000e+38 : f32
      %broadcast_in_dim3A_158 = vector.broadcast %broadcast_in_dim3A_157 : f32 to vector<16xf32>
      %broadcast_in_dim3A_159 = arith.constant 3.000000e+38 : f32
      %broadcast_in_dim3A_160 = vector.broadcast %broadcast_in_dim3A_159 : f32 to vector<16xf32>
      %broadcast_in_dim3A_161 = arith.constant 3.000000e+38 : f32
      %broadcast_in_dim3A_162 = vector.broadcast %broadcast_in_dim3A_161 : f32 to vector<16xf32>
      %broadcast_in_dim3A_163 = arith.constant 3.000000e+38 : f32
      %broadcast_in_dim3A_164 = vector.broadcast %broadcast_in_dim3A_163 : f32 to vector<16xf32>
      %scan3A_165 = arith.constant 0 : i32
      %scan3A_166 = arith.constant 128 : i32
      %scan3A_167 = arith.addi %scan3A_165, %scan3A_166 : i32
      %scan3A_168 = arith.constant 1 : i32
      %scan3A_169:8 = scf.for %scan3A_1205 = %scan3A_165 to %scan3A_167 step %scan3A_168 iter_args(%scan3A_1206 = %broadcast_in_dim3A_150, %scan3A_1207 = %broadcast_in_dim3A_152, %scan3A_1208 = %broadcast_in_dim3A_154, %scan3A_1209 = %broadcast_in_dim3A_156, %scan3A_1210 = %broadcast_in_dim3A_158, %scan3A_1211 = %broadcast_in_dim3A_160, %scan3A_1212 = %broadcast_in_dim3A_162, %scan3A_1213 = %broadcast_in_dim3A_164) -> (vector<16xf32>, vector<16xf32>, vector<16xf32>, vector<16xf32>, vector<16xf32>, vector<16xf32>, vector<16xf32>, vector<16xf32>)  : i32 {
        %mul3A_1214 = arith.constant 16 : i32
        %mul3A_1215 = arith.muli %scan3A_1205, %mul3A_1214 : i32
        %get3A_1216 = arith.index_cast %mul3A_1215 : i32 to index
        %get3A_1217 = tpu.vector_load %arg8[%get3A_1216] {strides = array<i32>} : memref<2048xf32, #tpu.memory_space<vmem>>, vector<16xf32>,
        %get3A_1218 = vector.shape_cast %get3A_1217 : vector<16xf32> to vector<16xf32>
        %mul3A_1219 = arith.constant 16 : i32
        %mul3A_1220 = arith.muli %scan3A_1205, %mul3A_1219 : i32
        %get3A_1221 = arith.index_cast %mul3A_1220 : i32 to index
        %get3A_1222 = tpu.vector_load %arg9[%get3A_1221] {strides = array<i32>} : memref<2048xf32, #tpu.memory_space<vmem>>, vector<16xf32>,
        %get3A_1223 = vector.shape_cast %get3A_1222 : vector<16xf32> to vector<16xf32>
        %mul3A_1224 = arith.constant 16 : i32
        %mul3A_1225 = arith.muli %scan3A_1205, %mul3A_1224 : i32
        %get3A_1226 = arith.index_cast %mul3A_1225 : i32 to index
        %get3A_1227 = tpu.vector_load %arg10[%get3A_1226] {strides = array<i32>} : memref<2048xf32, #tpu.memory_space<vmem>>, vector<16xf32>,
        %get3A_1228 = vector.shape_cast %get3A_1227 : vector<16xf32> to vector<16xf32>
        %mul3A_1229 = arith.constant 16 : i32
        %mul3A_1230 = arith.muli %scan3A_1205, %mul3A_1229 : i32
        %get3A_1231 = arith.index_cast %mul3A_1230 : i32 to index
        %get3A_1232 = tpu.vector_load %arg11[%get3A_1231] {strides = array<i32>} : memref<2048xf32, #tpu.memory_space<vmem>>, vector<16xf32>,
        %get3A_1233 = vector.shape_cast %get3A_1232 : vector<16xf32> to vector<16xf32>
        %sub3A = arith.subf %get3A_1218, %broadcast_in_dim3A_79 : vector<16xf32>
        %sub3A_1234 = arith.subf %get3A_1223, %broadcast_in_dim3A_103 : vector<16xf32>
        %sub3A_1235 = arith.subf %get3A_1228, %broadcast_in_dim3A_127 : vector<16xf32>
        %mul3A_1236 = arith.mulf %sub3A, %sub3A : vector<16xf32>
        %mul3A_1237 = arith.mulf %sub3A_1234, %sub3A_1234 : vector<16xf32>
        %add3A_1238 = arith.addf %mul3A_1236, %mul3A_1237 : vector<16xf32>
        %mul3A_1239 = arith.mulf %sub3A_1235, %sub3A_1235 : vector<16xf32>
        %add3A_1240 = arith.addf %add3A_1238, %mul3A_1239 : vector<16xf32>
        %min3A_1241 = arith.minimumf %scan3A_1206, %add3A_1240 : vector<16xf32>
        %min3A_1242 = arith.minimumf %get3A_1233, %add3A_1240 : vector<16xf32>
        %sub3A_1243 = arith.subf %get3A_1218, %broadcast_in_dim3A_82 : vector<16xf32>
        %sub3A_1244 = arith.subf %get3A_1223, %broadcast_in_dim3A_106 : vector<16xf32>
        %sub3A_1245 = arith.subf %get3A_1228, %broadcast_in_dim3A_130 : vector<16xf32>
        %mul3A_1246 = arith.mulf %sub3A_1243, %sub3A_1243 : vector<16xf32>
        %mul3A_1247 = arith.mulf %sub3A_1244, %sub3A_1244 : vector<16xf32>
        %add3A_1248 = arith.addf %mul3A_1246, %mul3A_1247 : vector<16xf32>
        %mul3A_1249 = arith.mulf %sub3A_1245, %sub3A_1245 : vector<16xf32>
        %add3A_1250 = arith.addf %add3A_1248, %mul3A_1249 : vector<16xf32>
        %min3A_1251 = arith.minimumf %scan3A_1207, %add3A_1250 : vector<16xf32>
        %min3A_1252 = arith.minimumf %min3A_1242, %add3A_1250 : vector<16xf32>
        %sub3A_1253 = arith.subf %get3A_1218, %broadcast_in_dim3A_85 : vector<16xf32>
        %sub3A_1254 = arith.subf %get3A_1223, %broadcast_in_dim3A_109 : vector<16xf32>
        %sub3A_1255 = arith.subf %get3A_1228, %broadcast_in_dim3A_133 : vector<16xf32>
        %mul3A_1256 = arith.mulf %sub3A_1253, %sub3A_1253 : vector<16xf32>
        %mul3A_1257 = arith.mulf %sub3A_1254, %sub3A_1254 : vector<16xf32>
        %add3A_1258 = arith.addf %mul3A_1256, %mul3A_1257 : vector<16xf32>
        %mul3A_1259 = arith.mulf %sub3A_1255, %sub3A_1255 : vector<16xf32>
        %add3A_1260 = arith.addf %add3A_1258, %mul3A_1259 : vector<16xf32>
        %min3A_1261 = arith.minimumf %scan3A_1208, %add3A_1260 : vector<16xf32>
        %min3A_1262 = arith.minimumf %min3A_1252, %add3A_1260 : vector<16xf32>
        %sub3A_1263 = arith.subf %get3A_1218, %broadcast_in_dim3A_88 : vector<16xf32>
        %sub3A_1264 = arith.subf %get3A_1223, %broadcast_in_dim3A_112 : vector<16xf32>
        %sub3A_1265 = arith.subf %get3A_1228, %broadcast_in_dim3A_136 : vector<16xf32>
        %mul3A_1266 = arith.mulf %sub3A_1263, %sub3A_1263 : vector<16xf32>
        %mul3A_1267 = arith.mulf %sub3A_1264, %sub3A_1264 : vector<16xf32>
        %add3A_1268 = arith.addf %mul3A_1266, %mul3A_1267 : vector<16xf32>
        %mul3A_1269 = arith.mulf %sub3A_1265, %sub3A_1265 : vector<16xf32>
        %add3A_1270 = arith.addf %add3A_1268, %mul3A_1269 : vector<16xf32>
        %min3A_1271 = arith.minimumf %scan3A_1209, %add3A_1270 : vector<16xf32>
        %min3A_1272 = arith.minimumf %min3A_1262, %add3A_1270 : vector<16xf32>
        %sub3A_1273 = arith.subf %get3A_1218, %broadcast_in_dim3A_91 : vector<16xf32>
        %sub3A_1274 = arith.subf %get3A_1223, %broadcast_in_dim3A_115 : vector<16xf32>
        %sub3A_1275 = arith.subf %get3A_1228, %broadcast_in_dim3A_139 : vector<16xf32>
        %mul3A_1276 = arith.mulf %sub3A_1273, %sub3A_1273 : vector<16xf32>
        %mul3A_1277 = arith.mulf %sub3A_1274, %sub3A_1274 : vector<16xf32>
        %add3A_1278 = arith.addf %mul3A_1276, %mul3A_1277 : vector<16xf32>
        %mul3A_1279 = arith.mulf %sub3A_1275, %sub3A_1275 : vector<16xf32>
        %add3A_1280 = arith.addf %add3A_1278, %mul3A_1279 : vector<16xf32>
        %min3A_1281 = arith.minimumf %scan3A_1210, %add3A_1280 : vector<16xf32>
        %min3A_1282 = arith.minimumf %min3A_1272, %add3A_1280 : vector<16xf32>
        %sub3A_1283 = arith.subf %get3A_1218, %broadcast_in_dim3A_94 : vector<16xf32>
        %sub3A_1284 = arith.subf %get3A_1223, %broadcast_in_dim3A_118 : vector<16xf32>
        %sub3A_1285 = arith.subf %get3A_1228, %broadcast_in_dim3A_142 : vector<16xf32>
        %mul3A_1286 = arith.mulf %sub3A_1283, %sub3A_1283 : vector<16xf32>
        %mul3A_1287 = arith.mulf %sub3A_1284, %sub3A_1284 : vector<16xf32>
        %add3A_1288 = arith.addf %mul3A_1286, %mul3A_1287 : vector<16xf32>
        %mul3A_1289 = arith.mulf %sub3A_1285, %sub3A_1285 : vector<16xf32>
        %add3A_1290 = arith.addf %add3A_1288, %mul3A_1289 : vector<16xf32>
        %min3A_1291 = arith.minimumf %scan3A_1211, %add3A_1290 : vector<16xf32>
        %min3A_1292 = arith.minimumf %min3A_1282, %add3A_1290 : vector<16xf32>
        %sub3A_1293 = arith.subf %get3A_1218, %broadcast_in_dim3A_97 : vector<16xf32>
        %sub3A_1294 = arith.subf %get3A_1223, %broadcast_in_dim3A_121 : vector<16xf32>
        %sub3A_1295 = arith.subf %get3A_1228, %broadcast_in_dim3A_145 : vector<16xf32>
        %mul3A_1296 = arith.mulf %sub3A_1293, %sub3A_1293 : vector<16xf32>
        %mul3A_1297 = arith.mulf %sub3A_1294, %sub3A_1294 : vector<16xf32>
        %add3A_1298 = arith.addf %mul3A_1296, %mul3A_1297 : vector<16xf32>
        %mul3A_1299 = arith.mulf %sub3A_1295, %sub3A_1295 : vector<16xf32>
        %add3A_1300 = arith.addf %add3A_1298, %mul3A_1299 : vector<16xf32>
        %min3A_1301 = arith.minimumf %scan3A_1212, %add3A_1300 : vector<16xf32>
        %min3A_1302 = arith.minimumf %min3A_1292, %add3A_1300 : vector<16xf32>
        %sub3A_1303 = arith.subf %get3A_1218, %broadcast_in_dim3A_100 : vector<16xf32>
        %sub3A_1304 = arith.subf %get3A_1223, %broadcast_in_dim3A_124 : vector<16xf32>
        %sub3A_1305 = arith.subf %get3A_1228, %broadcast_in_dim3A_148 : vector<16xf32>
        %mul3A_1306 = arith.mulf %sub3A_1303, %sub3A_1303 : vector<16xf32>
        %mul3A_1307 = arith.mulf %sub3A_1304, %sub3A_1304 : vector<16xf32>
        %add3A_1308 = arith.addf %mul3A_1306, %mul3A_1307 : vector<16xf32>
        %mul3A_1309 = arith.mulf %sub3A_1305, %sub3A_1305 : vector<16xf32>
        %add3A_1310 = arith.addf %add3A_1308, %mul3A_1309 : vector<16xf32>
        %min3A_1311 = arith.minimumf %scan3A_1213, %add3A_1310 : vector<16xf32>
        %min3A_1312 = arith.minimumf %min3A_1302, %add3A_1310 : vector<16xf32>
        %mul3A_1313 = arith.constant 16 : i32
        %mul3A_1314 = arith.muli %scan3A_1205, %mul3A_1313 : i32
        %swap3A_1315 = arith.index_cast %mul3A_1314 : i32 to index
        %swap3A_1316 = tpu.vector_load %arg11[%swap3A_1315] {strides = array<i32>} : memref<2048xf32, #tpu.memory_space<vmem>>, vector<16xf32>,
        %swap3A_1317 = vector.shape_cast %swap3A_1316 : vector<16xf32> to vector<16xf32>
        %swap3A_1318 = vector.shape_cast %min3A_1312 : vector<16xf32> to vector<16xf32>
        tpu.vector_store %arg11[%swap3A_1315], %swap3A_1318 {strides = array<i32>} : memref<2048xf32, #tpu.memory_space<vmem>>, vector<16xf32>,
        scf.yield %min3A_1241, %min3A_1251, %min3A_1261, %min3A_1271, %min3A_1281, %min3A_1291, %min3A_1301, %min3A_1311 : vector<16xf32>, vector<16xf32>, vector<16xf32>, vector<16xf32>, vector<16xf32>, vector<16xf32>, vector<16xf32>, vector<16xf32>
      }
      %scan3A_170 = arith.constant 128 : i32
      %iota3A = tpu.iota {dimensions = array<i32: 0>} : vector<16xi32>
      %xor3A = arith.constant 8 : i32
      %xor3A_171 = vector.broadcast %xor3A : i32 to vector<16xi32>
      %xor3A_172 = arith.xori %iota3A, %xor3A_171 : vector<16xi32>
      %lt3A = arith.constant 0 : i32
      %lt3A_173 = vector.broadcast %lt3A : i32 to vector<16xi32>
      %lt3A_174 = arith.cmpi slt, %xor3A_172, %lt3A_173 : vector<16xi32>
      %add3A_175 = arith.constant 16 : i32
      %add3A_176 = vector.broadcast %add3A_175 : i32 to vector<16xi32>
      %add3A_177 = arith.addi %xor3A_172, %add3A_176 : vector<16xi32>
      %select_n3A = arith.select %lt3A_174, %add3A_177, %xor3A_172 : vector<16xi1>, vector<16xi32>
      %broadcast_in_dim3A_178 = vector.shape_cast %select_n3A : vector<16xi32> to vector<16x1xi32>
      %gather3A = vector.shape_cast %broadcast_in_dim3A_178 : vector<16x1xi32> to vector<16xi32>
      %gather3A_179 = tpu.dynamic_gather %scan3A_169#0[%gather3A] in [0] : vector<16xf32>, vector<16xi32> -> vector<16xf32>
      %min3A = arith.minimumf %scan3A_169#0, %gather3A_179 : vector<16xf32>
      %xor3A_180 = arith.constant 4 : i32
      %xor3A_181 = vector.broadcast %xor3A_180 : i32 to vector<16xi32>
      %xor3A_182 = arith.xori %iota3A, %xor3A_181 : vector<16xi32>
      %lt3A_183 = arith.constant 0 : i32
      %lt3A_184 = vector.broadcast %lt3A_183 : i32 to vector<16xi32>
      %lt3A_185 = arith.cmpi slt, %xor3A_182, %lt3A_184 : vector<16xi32>
      %add3A_186 = arith.constant 16 : i32
      %add3A_187 = vector.broadcast %add3A_186 : i32 to vector<16xi32>
      %add3A_188 = arith.addi %xor3A_182, %add3A_187 : vector<16xi32>
      %select_n3A_189 = arith.select %lt3A_185, %add3A_188, %xor3A_182 : vector<16xi1>, vector<16xi32>
      %broadcast_in_dim3A_190 = vector.shape_cast %select_n3A_189 : vector<16xi32> to vector<16x1xi32>
      %gather3A_191 = vector.shape_cast %broadcast_in_dim3A_190 : vector<16x1xi32> to vector<16xi32>
      %gather3A_192 = tpu.dynamic_gather %min3A[%gather3A_191] in [0] : vector<16xf32>, vector<16xi32> -> vector<16xf32>
      %min3A_193 = arith.minimumf %min3A, %gather3A_192 : vector<16xf32>
      %xor3A_194 = arith.constant 2 : i32
      %xor3A_195 = vector.broadcast %xor3A_194 : i32 to vector<16xi32>
      %xor3A_196 = arith.xori %iota3A, %xor3A_195 : vector<16xi32>
      %lt3A_197 = arith.constant 0 : i32
      %lt3A_198 = vector.broadcast %lt3A_197 : i32 to vector<16xi32>
      %lt3A_199 = arith.cmpi slt, %xor3A_196, %lt3A_198 : vector<16xi32>
      %add3A_200 = arith.constant 16 : i32
      %add3A_201 = vector.broadcast %add3A_200 : i32 to vector<16xi32>
      %add3A_202 = arith.addi %xor3A_196, %add3A_201 : vector<16xi32>
      %select_n3A_203 = arith.select %lt3A_199, %add3A_202, %xor3A_196 : vector<16xi1>, vector<16xi32>
      %broadcast_in_dim3A_204 = vector.shape_cast %select_n3A_203 : vector<16xi32> to vector<16x1xi32>
      %gather3A_205 = vector.shape_cast %broadcast_in_dim3A_204 : vector<16x1xi32> to vector<16xi32>
      %gather3A_206 = tpu.dynamic_gather %min3A_193[%gather3A_205] in [0] : vector<16xf32>, vector<16xi32> -> vector<16xf32>
      %min3A_207 = arith.minimumf %min3A_193, %gather3A_206 : vector<16xf32>
      %xor3A_208 = arith.constant 1 : i32
      %xor3A_209 = vector.broadcast %xor3A_208 : i32 to vector<16xi32>
      %xor3A_210 = arith.xori %iota3A, %xor3A_209 : vector<16xi32>
      %lt3A_211 = arith.constant 0 : i32
      %lt3A_212 = vector.broadcast %lt3A_211 : i32 to vector<16xi32>
      %lt3A_213 = arith.cmpi slt, %xor3A_210, %lt3A_212 : vector<16xi32>
      %add3A_214 = arith.constant 16 : i32
      %add3A_215 = vector.broadcast %add3A_214 : i32 to vector<16xi32>
      %add3A_216 = arith.addi %xor3A_210, %add3A_215 : vector<16xi32>
      %select_n3A_217 = arith.select %lt3A_213, %add3A_216, %xor3A_210 : vector<16xi1>, vector<16xi32>
      %broadcast_in_dim3A_218 = vector.shape_cast %select_n3A_217 : vector<16xi32> to vector<16x1xi32>
      %gather3A_219 = vector.shape_cast %broadcast_in_dim3A_218 : vector<16x1xi32> to vector<16xi32>
      %gather3A_220 = tpu.dynamic_gather %min3A_207[%gather3A_219] in [0] : vector<16xf32>, vector<16xi32> -> vector<16xf32>
      %min3A_221 = arith.minimumf %min3A_207, %gather3A_220 : vector<16xf32>
      %slice3A_222 = vector.extract_strided_slice %min3A_221 {offsets = [0], sizes = [1], strides = [1]} : vector<16xf32> to vector<1xf32>
      %squeeze3A_223 = vector.extract %slice3A_222[0] : f32 from vector<1xf32>
      %add3A_224 = arith.addf %scan3A_68, %squeeze3A_223 : f32
      %xor3A_225 = arith.constant 8 : i32
      %xor3A_226 = vector.broadcast %xor3A_225 : i32 to vector<16xi32>
      %xor3A_227 = arith.xori %iota3A, %xor3A_226 : vector<16xi32>
      %lt3A_228 = arith.constant 0 : i32
      %lt3A_229 = vector.broadcast %lt3A_228 : i32 to vector<16xi32>
      %lt3A_230 = arith.cmpi slt, %xor3A_227, %lt3A_229 : vector<16xi32>
      %add3A_231 = arith.constant 16 : i32
      %add3A_232 = vector.broadcast %add3A_231 : i32 to vector<16xi32>
      %add3A_233 = arith.addi %xor3A_227, %add3A_232 : vector<16xi32>
      %select_n3A_234 = arith.select %lt3A_230, %add3A_233, %xor3A_227 : vector<16xi1>, vector<16xi32>
      %broadcast_in_dim3A_235 = vector.shape_cast %select_n3A_234 : vector<16xi32> to vector<16x1xi32>
      %gather3A_236 = vector.shape_cast %broadcast_in_dim3A_235 : vector<16x1xi32> to vector<16xi32>
      %gather3A_237 = tpu.dynamic_gather %scan3A_169#1[%gather3A_236] in [0] : vector<16xf32>, vector<16xi32> -> vector<16xf32>
      %min3A_238 = arith.minimumf %scan3A_169#1, %gather3A_237 : vector<16xf32>
      %xor3A_239 = arith.constant 4 : i32
      %xor3A_240 = vector.broadcast %xor3A_239 : i32 to vector<16xi32>
      %xor3A_241 = arith.xori %iota3A, %xor3A_240 : vector<16xi32>
      %lt3A_242 = arith.constant 0 : i32
      %lt3A_243 = vector.broadcast %lt3A_242 : i32 to vector<16xi32>
      %lt3A_244 = arith.cmpi slt, %xor3A_241, %lt3A_243 : vector<16xi32>
      %add3A_245 = arith.constant 16 : i32
      %add3A_246 = vector.broadcast %add3A_245 : i32 to vector<16xi32>
      %add3A_247 = arith.addi %xor3A_241, %add3A_246 : vector<16xi32>
      %select_n3A_248 = arith.select %lt3A_244, %add3A_247, %xor3A_241 : vector<16xi1>, vector<16xi32>
      %broadcast_in_dim3A_249 = vector.shape_cast %select_n3A_248 : vector<16xi32> to vector<16x1xi32>
      %gather3A_250 = vector.shape_cast %broadcast_in_dim3A_249 : vector<16x1xi32> to vector<16xi32>
      %gather3A_251 = tpu.dynamic_gather %min3A_238[%gather3A_250] in [0] : vector<16xf32>, vector<16xi32> -> vector<16xf32>
      %min3A_252 = arith.minimumf %min3A_238, %gather3A_251 : vector<16xf32>
      %xor3A_253 = arith.constant 2 : i32
      %xor3A_254 = vector.broadcast %xor3A_253 : i32 to vector<16xi32>
      %xor3A_255 = arith.xori %iota3A, %xor3A_254 : vector<16xi32>
      %lt3A_256 = arith.constant 0 : i32
      %lt3A_257 = vector.broadcast %lt3A_256 : i32 to vector<16xi32>
      %lt3A_258 = arith.cmpi slt, %xor3A_255, %lt3A_257 : vector<16xi32>
      %add3A_259 = arith.constant 16 : i32
      %add3A_260 = vector.broadcast %add3A_259 : i32 to vector<16xi32>
      %add3A_261 = arith.addi %xor3A_255, %add3A_260 : vector<16xi32>
      %select_n3A_262 = arith.select %lt3A_258, %add3A_261, %xor3A_255 : vector<16xi1>, vector<16xi32>
      %broadcast_in_dim3A_263 = vector.shape_cast %select_n3A_262 : vector<16xi32> to vector<16x1xi32>
      %gather3A_264 = vector.shape_cast %broadcast_in_dim3A_263 : vector<16x1xi32> to vector<16xi32>
      %gather3A_265 = tpu.dynamic_gather %min3A_252[%gather3A_264] in [0] : vector<16xf32>, vector<16xi32> -> vector<16xf32>
      %min3A_266 = arith.minimumf %min3A_252, %gather3A_265 : vector<16xf32>
      %xor3A_267 = arith.constant 1 : i32
      %xor3A_268 = vector.broadcast %xor3A_267 : i32 to vector<16xi32>
      %xor3A_269 = arith.xori %iota3A, %xor3A_268 : vector<16xi32>
      %lt3A_270 = arith.constant 0 : i32
      %lt3A_271 = vector.broadcast %lt3A_270 : i32 to vector<16xi32>
      %lt3A_272 = arith.cmpi slt, %xor3A_269, %lt3A_271 : vector<16xi32>
      %add3A_273 = arith.constant 16 : i32
      %add3A_274 = vector.broadcast %add3A_273 : i32 to vector<16xi32>
      %add3A_275 = arith.addi %xor3A_269, %add3A_274 : vector<16xi32>
      %select_n3A_276 = arith.select %lt3A_272, %add3A_275, %xor3A_269 : vector<16xi1>, vector<16xi32>
      %broadcast_in_dim3A_277 = vector.shape_cast %select_n3A_276 : vector<16xi32> to vector<16x1xi32>
      %gather3A_278 = vector.shape_cast %broadcast_in_dim3A_277 : vector<16x1xi32> to vector<16xi32>
      %gather3A_279 = tpu.dynamic_gather %min3A_266[%gather3A_278] in [0] : vector<16xf32>, vector<16xi32> -> vector<16xf32>
      %min3A_280 = arith.minimumf %min3A_266, %gather3A_279 : vector<16xf32>
      %slice3A_281 = vector.extract_strided_slice %min3A_280 {offsets = [0], sizes = [1], strides = [1]} : vector<16xf32> to vector<1xf32>
      %squeeze3A_282 = vector.extract %slice3A_281[0] : f32 from vector<1xf32>
      %add3A_283 = arith.addf %add3A_224, %squeeze3A_282 : f32
      %xor3A_284 = arith.constant 8 : i32
      %xor3A_285 = vector.broadcast %xor3A_284 : i32 to vector<16xi32>
      %xor3A_286 = arith.xori %iota3A, %xor3A_285 : vector<16xi32>
      %lt3A_287 = arith.constant 0 : i32
      %lt3A_288 = vector.broadcast %lt3A_287 : i32 to vector<16xi32>
      %lt3A_289 = arith.cmpi slt, %xor3A_286, %lt3A_288 : vector<16xi32>
      %add3A_290 = arith.constant 16 : i32
      %add3A_291 = vector.broadcast %add3A_290 : i32 to vector<16xi32>
      %add3A_292 = arith.addi %xor3A_286, %add3A_291 : vector<16xi32>
      %select_n3A_293 = arith.select %lt3A_289, %add3A_292, %xor3A_286 : vector<16xi1>, vector<16xi32>
      %broadcast_in_dim3A_294 = vector.shape_cast %select_n3A_293 : vector<16xi32> to vector<16x1xi32>
      %gather3A_295 = vector.shape_cast %broadcast_in_dim3A_294 : vector<16x1xi32> to vector<16xi32>
      %gather3A_296 = tpu.dynamic_gather %scan3A_169#2[%gather3A_295] in [0] : vector<16xf32>, vector<16xi32> -> vector<16xf32>
      %min3A_297 = arith.minimumf %scan3A_169#2, %gather3A_296 : vector<16xf32>
      %xor3A_298 = arith.constant 4 : i32
      %xor3A_299 = vector.broadcast %xor3A_298 : i32 to vector<16xi32>
      %xor3A_300 = arith.xori %iota3A, %xor3A_299 : vector<16xi32>
      %lt3A_301 = arith.constant 0 : i32
      %lt3A_302 = vector.broadcast %lt3A_301 : i32 to vector<16xi32>
      %lt3A_303 = arith.cmpi slt, %xor3A_300, %lt3A_302 : vector<16xi32>
      %add3A_304 = arith.constant 16 : i32
      %add3A_305 = vector.broadcast %add3A_304 : i32 to vector<16xi32>
      %add3A_306 = arith.addi %xor3A_300, %add3A_305 : vector<16xi32>
      %select_n3A_307 = arith.select %lt3A_303, %add3A_306, %xor3A_300 : vector<16xi1>, vector<16xi32>
      %broadcast_in_dim3A_308 = vector.shape_cast %select_n3A_307 : vector<16xi32> to vector<16x1xi32>
      %gather3A_309 = vector.shape_cast %broadcast_in_dim3A_308 : vector<16x1xi32> to vector<16xi32>
      %gather3A_310 = tpu.dynamic_gather %min3A_297[%gather3A_309] in [0] : vector<16xf32>, vector<16xi32> -> vector<16xf32>
      %min3A_311 = arith.minimumf %min3A_297, %gather3A_310 : vector<16xf32>
      %xor3A_312 = arith.constant 2 : i32
      %xor3A_313 = vector.broadcast %xor3A_312 : i32 to vector<16xi32>
      %xor3A_314 = arith.xori %iota3A, %xor3A_313 : vector<16xi32>
      %lt3A_315 = arith.constant 0 : i32
      %lt3A_316 = vector.broadcast %lt3A_315 : i32 to vector<16xi32>
      %lt3A_317 = arith.cmpi slt, %xor3A_314, %lt3A_316 : vector<16xi32>
      %add3A_318 = arith.constant 16 : i32
      %add3A_319 = vector.broadcast %add3A_318 : i32 to vector<16xi32>
      %add3A_320 = arith.addi %xor3A_314, %add3A_319 : vector<16xi32>
      %select_n3A_321 = arith.select %lt3A_317, %add3A_320, %xor3A_314 : vector<16xi1>, vector<16xi32>
      %broadcast_in_dim3A_322 = vector.shape_cast %select_n3A_321 : vector<16xi32> to vector<16x1xi32>
      %gather3A_323 = vector.shape_cast %broadcast_in_dim3A_322 : vector<16x1xi32> to vector<16xi32>
      %gather3A_324 = tpu.dynamic_gather %min3A_311[%gather3A_323] in [0] : vector<16xf32>, vector<16xi32> -> vector<16xf32>
      %min3A_325 = arith.minimumf %min3A_311, %gather3A_324 : vector<16xf32>
      %xor3A_326 = arith.constant 1 : i32
      %xor3A_327 = vector.broadcast %xor3A_326 : i32 to vector<16xi32>
      %xor3A_328 = arith.xori %iota3A, %xor3A_327 : vector<16xi32>
      %lt3A_329 = arith.constant 0 : i32
      %lt3A_330 = vector.broadcast %lt3A_329 : i32 to vector<16xi32>
      %lt3A_331 = arith.cmpi slt, %xor3A_328, %lt3A_330 : vector<16xi32>
      %add3A_332 = arith.constant 16 : i32
      %add3A_333 = vector.broadcast %add3A_332 : i32 to vector<16xi32>
      %add3A_334 = arith.addi %xor3A_328, %add3A_333 : vector<16xi32>
      %select_n3A_335 = arith.select %lt3A_331, %add3A_334, %xor3A_328 : vector<16xi1>, vector<16xi32>
      %broadcast_in_dim3A_336 = vector.shape_cast %select_n3A_335 : vector<16xi32> to vector<16x1xi32>
      %gather3A_337 = vector.shape_cast %broadcast_in_dim3A_336 : vector<16x1xi32> to vector<16xi32>
      %gather3A_338 = tpu.dynamic_gather %min3A_325[%gather3A_337] in [0] : vector<16xf32>, vector<16xi32> -> vector<16xf32>
      %min3A_339 = arith.minimumf %min3A_325, %gather3A_338 : vector<16xf32>
      %slice3A_340 = vector.extract_strided_slice %min3A_339 {offsets = [0], sizes = [1], strides = [1]} : vector<16xf32> to vector<1xf32>
      %squeeze3A_341 = vector.extract %slice3A_340[0] : f32 from vector<1xf32>
      %add3A_342 = arith.addf %add3A_283, %squeeze3A_341 : f32
      %xor3A_343 = arith.constant 8 : i32
      %xor3A_344 = vector.broadcast %xor3A_343 : i32 to vector<16xi32>
      %xor3A_345 = arith.xori %iota3A, %xor3A_344 : vector<16xi32>
      %lt3A_346 = arith.constant 0 : i32
      %lt3A_347 = vector.broadcast %lt3A_346 : i32 to vector<16xi32>
      %lt3A_348 = arith.cmpi slt, %xor3A_345, %lt3A_347 : vector<16xi32>
      %add3A_349 = arith.constant 16 : i32
      %add3A_350 = vector.broadcast %add3A_349 : i32 to vector<16xi32>
      %add3A_351 = arith.addi %xor3A_345, %add3A_350 : vector<16xi32>
      %select_n3A_352 = arith.select %lt3A_348, %add3A_351, %xor3A_345 : vector<16xi1>, vector<16xi32>
      %broadcast_in_dim3A_353 = vector.shape_cast %select_n3A_352 : vector<16xi32> to vector<16x1xi32>
      %gather3A_354 = vector.shape_cast %broadcast_in_dim3A_353 : vector<16x1xi32> to vector<16xi32>
      %gather3A_355 = tpu.dynamic_gather %scan3A_169#3[%gather3A_354] in [0] : vector<16xf32>, vector<16xi32> -> vector<16xf32>
      %min3A_356 = arith.minimumf %scan3A_169#3, %gather3A_355 : vector<16xf32>
      %xor3A_357 = arith.constant 4 : i32
      %xor3A_358 = vector.broadcast %xor3A_357 : i32 to vector<16xi32>
      %xor3A_359 = arith.xori %iota3A, %xor3A_358 : vector<16xi32>
      %lt3A_360 = arith.constant 0 : i32
      %lt3A_361 = vector.broadcast %lt3A_360 : i32 to vector<16xi32>
      %lt3A_362 = arith.cmpi slt, %xor3A_359, %lt3A_361 : vector<16xi32>
      %add3A_363 = arith.constant 16 : i32
      %add3A_364 = vector.broadcast %add3A_363 : i32 to vector<16xi32>
      %add3A_365 = arith.addi %xor3A_359, %add3A_364 : vector<16xi32>
      %select_n3A_366 = arith.select %lt3A_362, %add3A_365, %xor3A_359 : vector<16xi1>, vector<16xi32>
      %broadcast_in_dim3A_367 = vector.shape_cast %select_n3A_366 : vector<16xi32> to vector<16x1xi32>
      %gather3A_368 = vector.shape_cast %broadcast_in_dim3A_367 : vector<16x1xi32> to vector<16xi32>
      %gather3A_369 = tpu.dynamic_gather %min3A_356[%gather3A_368] in [0] : vector<16xf32>, vector<16xi32> -> vector<16xf32>
      %min3A_370 = arith.minimumf %min3A_356, %gather3A_369 : vector<16xf32>
      %xor3A_371 = arith.constant 2 : i32
      %xor3A_372 = vector.broadcast %xor3A_371 : i32 to vector<16xi32>
      %xor3A_373 = arith.xori %iota3A, %xor3A_372 : vector<16xi32>
      %lt3A_374 = arith.constant 0 : i32
      %lt3A_375 = vector.broadcast %lt3A_374 : i32 to vector<16xi32>
      %lt3A_376 = arith.cmpi slt, %xor3A_373, %lt3A_375 : vector<16xi32>
      %add3A_377 = arith.constant 16 : i32
      %add3A_378 = vector.broadcast %add3A_377 : i32 to vector<16xi32>
      %add3A_379 = arith.addi %xor3A_373, %add3A_378 : vector<16xi32>
      %select_n3A_380 = arith.select %lt3A_376, %add3A_379, %xor3A_373 : vector<16xi1>, vector<16xi32>
      %broadcast_in_dim3A_381 = vector.shape_cast %select_n3A_380 : vector<16xi32> to vector<16x1xi32>
      %gather3A_382 = vector.shape_cast %broadcast_in_dim3A_381 : vector<16x1xi32> to vector<16xi32>
      %gather3A_383 = tpu.dynamic_gather %min3A_370[%gather3A_382] in [0] : vector<16xf32>, vector<16xi32> -> vector<16xf32>
      %min3A_384 = arith.minimumf %min3A_370, %gather3A_383 : vector<16xf32>
      %xor3A_385 = arith.constant 1 : i32
      %xor3A_386 = vector.broadcast %xor3A_385 : i32 to vector<16xi32>
      %xor3A_387 = arith.xori %iota3A, %xor3A_386 : vector<16xi32>
      %lt3A_388 = arith.constant 0 : i32
      %lt3A_389 = vector.broadcast %lt3A_388 : i32 to vector<16xi32>
      %lt3A_390 = arith.cmpi slt, %xor3A_387, %lt3A_389 : vector<16xi32>
      %add3A_391 = arith.constant 16 : i32
      %add3A_392 = vector.broadcast %add3A_391 : i32 to vector<16xi32>
      %add3A_393 = arith.addi %xor3A_387, %add3A_392 : vector<16xi32>
      %select_n3A_394 = arith.select %lt3A_390, %add3A_393, %xor3A_387 : vector<16xi1>, vector<16xi32>
      %broadcast_in_dim3A_395 = vector.shape_cast %select_n3A_394 : vector<16xi32> to vector<16x1xi32>
      %gather3A_396 = vector.shape_cast %broadcast_in_dim3A_395 : vector<16x1xi32> to vector<16xi32>
      %gather3A_397 = tpu.dynamic_gather %min3A_384[%gather3A_396] in [0] : vector<16xf32>, vector<16xi32> -> vector<16xf32>
      %min3A_398 = arith.minimumf %min3A_384, %gather3A_397 : vector<16xf32>
      %slice3A_399 = vector.extract_strided_slice %min3A_398 {offsets = [0], sizes = [1], strides = [1]} : vector<16xf32> to vector<1xf32>
      %squeeze3A_400 = vector.extract %slice3A_399[0] : f32 from vector<1xf32>
      %add3A_401 = arith.addf %add3A_342, %squeeze3A_400 : f32
      %xor3A_402 = arith.constant 8 : i32
      %xor3A_403 = vector.broadcast %xor3A_402 : i32 to vector<16xi32>
      %xor3A_404 = arith.xori %iota3A, %xor3A_403 : vector<16xi32>
      %lt3A_405 = arith.constant 0 : i32
      %lt3A_406 = vector.broadcast %lt3A_405 : i32 to vector<16xi32>
      %lt3A_407 = arith.cmpi slt, %xor3A_404, %lt3A_406 : vector<16xi32>
      %add3A_408 = arith.constant 16 : i32
      %add3A_409 = vector.broadcast %add3A_408 : i32 to vector<16xi32>
      %add3A_410 = arith.addi %xor3A_404, %add3A_409 : vector<16xi32>
      %select_n3A_411 = arith.select %lt3A_407, %add3A_410, %xor3A_404 : vector<16xi1>, vector<16xi32>
      %broadcast_in_dim3A_412 = vector.shape_cast %select_n3A_411 : vector<16xi32> to vector<16x1xi32>
      %gather3A_413 = vector.shape_cast %broadcast_in_dim3A_412 : vector<16x1xi32> to vector<16xi32>
      %gather3A_414 = tpu.dynamic_gather %scan3A_169#4[%gather3A_413] in [0] : vector<16xf32>, vector<16xi32> -> vector<16xf32>
      %min3A_415 = arith.minimumf %scan3A_169#4, %gather3A_414 : vector<16xf32>
      %xor3A_416 = arith.constant 4 : i32
      %xor3A_417 = vector.broadcast %xor3A_416 : i32 to vector<16xi32>
      %xor3A_418 = arith.xori %iota3A, %xor3A_417 : vector<16xi32>
      %lt3A_419 = arith.constant 0 : i32
      %lt3A_420 = vector.broadcast %lt3A_419 : i32 to vector<16xi32>
      %lt3A_421 = arith.cmpi slt, %xor3A_418, %lt3A_420 : vector<16xi32>
      %add3A_422 = arith.constant 16 : i32
      %add3A_423 = vector.broadcast %add3A_422 : i32 to vector<16xi32>
      %add3A_424 = arith.addi %xor3A_418, %add3A_423 : vector<16xi32>
      %select_n3A_425 = arith.select %lt3A_421, %add3A_424, %xor3A_418 : vector<16xi1>, vector<16xi32>
      %broadcast_in_dim3A_426 = vector.shape_cast %select_n3A_425 : vector<16xi32> to vector<16x1xi32>
      %gather3A_427 = vector.shape_cast %broadcast_in_dim3A_426 : vector<16x1xi32> to vector<16xi32>
      %gather3A_428 = tpu.dynamic_gather %min3A_415[%gather3A_427] in [0] : vector<16xf32>, vector<16xi32> -> vector<16xf32>
      %min3A_429 = arith.minimumf %min3A_415, %gather3A_428 : vector<16xf32>
      %xor3A_430 = arith.constant 2 : i32
      %xor3A_431 = vector.broadcast %xor3A_430 : i32 to vector<16xi32>
      %xor3A_432 = arith.xori %iota3A, %xor3A_431 : vector<16xi32>
      %lt3A_433 = arith.constant 0 : i32
      %lt3A_434 = vector.broadcast %lt3A_433 : i32 to vector<16xi32>
      %lt3A_435 = arith.cmpi slt, %xor3A_432, %lt3A_434 : vector<16xi32>
      %add3A_436 = arith.constant 16 : i32
      %add3A_437 = vector.broadcast %add3A_436 : i32 to vector<16xi32>
      %add3A_438 = arith.addi %xor3A_432, %add3A_437 : vector<16xi32>
      %select_n3A_439 = arith.select %lt3A_435, %add3A_438, %xor3A_432 : vector<16xi1>, vector<16xi32>
      %broadcast_in_dim3A_440 = vector.shape_cast %select_n3A_439 : vector<16xi32> to vector<16x1xi32>
      %gather3A_441 = vector.shape_cast %broadcast_in_dim3A_440 : vector<16x1xi32> to vector<16xi32>
      %gather3A_442 = tpu.dynamic_gather %min3A_429[%gather3A_441] in [0] : vector<16xf32>, vector<16xi32> -> vector<16xf32>
      %min3A_443 = arith.minimumf %min3A_429, %gather3A_442 : vector<16xf32>
      %xor3A_444 = arith.constant 1 : i32
      %xor3A_445 = vector.broadcast %xor3A_444 : i32 to vector<16xi32>
      %xor3A_446 = arith.xori %iota3A, %xor3A_445 : vector<16xi32>
      %lt3A_447 = arith.constant 0 : i32
      %lt3A_448 = vector.broadcast %lt3A_447 : i32 to vector<16xi32>
      %lt3A_449 = arith.cmpi slt, %xor3A_446, %lt3A_448 : vector<16xi32>
      %add3A_450 = arith.constant 16 : i32
      %add3A_451 = vector.broadcast %add3A_450 : i32 to vector<16xi32>
      %add3A_452 = arith.addi %xor3A_446, %add3A_451 : vector<16xi32>
      %select_n3A_453 = arith.select %lt3A_449, %add3A_452, %xor3A_446 : vector<16xi1>, vector<16xi32>
      %broadcast_in_dim3A_454 = vector.shape_cast %select_n3A_453 : vector<16xi32> to vector<16x1xi32>
      %gather3A_455 = vector.shape_cast %broadcast_in_dim3A_454 : vector<16x1xi32> to vector<16xi32>
      %gather3A_456 = tpu.dynamic_gather %min3A_443[%gather3A_455] in [0] : vector<16xf32>, vector<16xi32> -> vector<16xf32>
      %min3A_457 = arith.minimumf %min3A_443, %gather3A_456 : vector<16xf32>
      %slice3A_458 = vector.extract_strided_slice %min3A_457 {offsets = [0], sizes = [1], strides = [1]} : vector<16xf32> to vector<1xf32>
      %squeeze3A_459 = vector.extract %slice3A_458[0] : f32 from vector<1xf32>
      %add3A_460 = arith.addf %add3A_401, %squeeze3A_459 : f32
      %xor3A_461 = arith.constant 8 : i32
      %xor3A_462 = vector.broadcast %xor3A_461 : i32 to vector<16xi32>
      %xor3A_463 = arith.xori %iota3A, %xor3A_462 : vector<16xi32>
      %lt3A_464 = arith.constant 0 : i32
      %lt3A_465 = vector.broadcast %lt3A_464 : i32 to vector<16xi32>
      %lt3A_466 = arith.cmpi slt, %xor3A_463, %lt3A_465 : vector<16xi32>
      %add3A_467 = arith.constant 16 : i32
      %add3A_468 = vector.broadcast %add3A_467 : i32 to vector<16xi32>
      %add3A_469 = arith.addi %xor3A_463, %add3A_468 : vector<16xi32>
      %select_n3A_470 = arith.select %lt3A_466, %add3A_469, %xor3A_463 : vector<16xi1>, vector<16xi32>
      %broadcast_in_dim3A_471 = vector.shape_cast %select_n3A_470 : vector<16xi32> to vector<16x1xi32>
      %gather3A_472 = vector.shape_cast %broadcast_in_dim3A_471 : vector<16x1xi32> to vector<16xi32>
      %gather3A_473 = tpu.dynamic_gather %scan3A_169#5[%gather3A_472] in [0] : vector<16xf32>, vector<16xi32> -> vector<16xf32>
      %min3A_474 = arith.minimumf %scan3A_169#5, %gather3A_473 : vector<16xf32>
      %xor3A_475 = arith.constant 4 : i32
      %xor3A_476 = vector.broadcast %xor3A_475 : i32 to vector<16xi32>
      %xor3A_477 = arith.xori %iota3A, %xor3A_476 : vector<16xi32>
      %lt3A_478 = arith.constant 0 : i32
      %lt3A_479 = vector.broadcast %lt3A_478 : i32 to vector<16xi32>
      %lt3A_480 = arith.cmpi slt, %xor3A_477, %lt3A_479 : vector<16xi32>
      %add3A_481 = arith.constant 16 : i32
      %add3A_482 = vector.broadcast %add3A_481 : i32 to vector<16xi32>
      %add3A_483 = arith.addi %xor3A_477, %add3A_482 : vector<16xi32>
      %select_n3A_484 = arith.select %lt3A_480, %add3A_483, %xor3A_477 : vector<16xi1>, vector<16xi32>
      %broadcast_in_dim3A_485 = vector.shape_cast %select_n3A_484 : vector<16xi32> to vector<16x1xi32>
      %gather3A_486 = vector.shape_cast %broadcast_in_dim3A_485 : vector<16x1xi32> to vector<16xi32>
      %gather3A_487 = tpu.dynamic_gather %min3A_474[%gather3A_486] in [0] : vector<16xf32>, vector<16xi32> -> vector<16xf32>
      %min3A_488 = arith.minimumf %min3A_474, %gather3A_487 : vector<16xf32>
      %xor3A_489 = arith.constant 2 : i32
      %xor3A_490 = vector.broadcast %xor3A_489 : i32 to vector<16xi32>
      %xor3A_491 = arith.xori %iota3A, %xor3A_490 : vector<16xi32>
      %lt3A_492 = arith.constant 0 : i32
      %lt3A_493 = vector.broadcast %lt3A_492 : i32 to vector<16xi32>
      %lt3A_494 = arith.cmpi slt, %xor3A_491, %lt3A_493 : vector<16xi32>
      %add3A_495 = arith.constant 16 : i32
      %add3A_496 = vector.broadcast %add3A_495 : i32 to vector<16xi32>
      %add3A_497 = arith.addi %xor3A_491, %add3A_496 : vector<16xi32>
      %select_n3A_498 = arith.select %lt3A_494, %add3A_497, %xor3A_491 : vector<16xi1>, vector<16xi32>
      %broadcast_in_dim3A_499 = vector.shape_cast %select_n3A_498 : vector<16xi32> to vector<16x1xi32>
      %gather3A_500 = vector.shape_cast %broadcast_in_dim3A_499 : vector<16x1xi32> to vector<16xi32>
      %gather3A_501 = tpu.dynamic_gather %min3A_488[%gather3A_500] in [0] : vector<16xf32>, vector<16xi32> -> vector<16xf32>
      %min3A_502 = arith.minimumf %min3A_488, %gather3A_501 : vector<16xf32>
      %xor3A_503 = arith.constant 1 : i32
      %xor3A_504 = vector.broadcast %xor3A_503 : i32 to vector<16xi32>
      %xor3A_505 = arith.xori %iota3A, %xor3A_504 : vector<16xi32>
      %lt3A_506 = arith.constant 0 : i32
      %lt3A_507 = vector.broadcast %lt3A_506 : i32 to vector<16xi32>
      %lt3A_508 = arith.cmpi slt, %xor3A_505, %lt3A_507 : vector<16xi32>
      %add3A_509 = arith.constant 16 : i32
      %add3A_510 = vector.broadcast %add3A_509 : i32 to vector<16xi32>
      %add3A_511 = arith.addi %xor3A_505, %add3A_510 : vector<16xi32>
      %select_n3A_512 = arith.select %lt3A_508, %add3A_511, %xor3A_505 : vector<16xi1>, vector<16xi32>
      %broadcast_in_dim3A_513 = vector.shape_cast %select_n3A_512 : vector<16xi32> to vector<16x1xi32>
      %gather3A_514 = vector.shape_cast %broadcast_in_dim3A_513 : vector<16x1xi32> to vector<16xi32>
      %gather3A_515 = tpu.dynamic_gather %min3A_502[%gather3A_514] in [0] : vector<16xf32>, vector<16xi32> -> vector<16xf32>
      %min3A_516 = arith.minimumf %min3A_502, %gather3A_515 : vector<16xf32>
      %slice3A_517 = vector.extract_strided_slice %min3A_516 {offsets = [0], sizes = [1], strides = [1]} : vector<16xf32> to vector<1xf32>
      %squeeze3A_518 = vector.extract %slice3A_517[0] : f32 from vector<1xf32>
      %add3A_519 = arith.addf %add3A_460, %squeeze3A_518 : f32
      %xor3A_520 = arith.constant 8 : i32
      %xor3A_521 = vector.broadcast %xor3A_520 : i32 to vector<16xi32>
      %xor3A_522 = arith.xori %iota3A, %xor3A_521 : vector<16xi32>
      %lt3A_523 = arith.constant 0 : i32
      %lt3A_524 = vector.broadcast %lt3A_523 : i32 to vector<16xi32>
      %lt3A_525 = arith.cmpi slt, %xor3A_522, %lt3A_524 : vector<16xi32>
      %add3A_526 = arith.constant 16 : i32
      %add3A_527 = vector.broadcast %add3A_526 : i32 to vector<16xi32>
      %add3A_528 = arith.addi %xor3A_522, %add3A_527 : vector<16xi32>
      %select_n3A_529 = arith.select %lt3A_525, %add3A_528, %xor3A_522 : vector<16xi1>, vector<16xi32>
      %broadcast_in_dim3A_530 = vector.shape_cast %select_n3A_529 : vector<16xi32> to vector<16x1xi32>
      %gather3A_531 = vector.shape_cast %broadcast_in_dim3A_530 : vector<16x1xi32> to vector<16xi32>
      %gather3A_532 = tpu.dynamic_gather %scan3A_169#6[%gather3A_531] in [0] : vector<16xf32>, vector<16xi32> -> vector<16xf32>
      %min3A_533 = arith.minimumf %scan3A_169#6, %gather3A_532 : vector<16xf32>
      %xor3A_534 = arith.constant 4 : i32
      %xor3A_535 = vector.broadcast %xor3A_534 : i32 to vector<16xi32>
      %xor3A_536 = arith.xori %iota3A, %xor3A_535 : vector<16xi32>
      %lt3A_537 = arith.constant 0 : i32
      %lt3A_538 = vector.broadcast %lt3A_537 : i32 to vector<16xi32>
      %lt3A_539 = arith.cmpi slt, %xor3A_536, %lt3A_538 : vector<16xi32>
      %add3A_540 = arith.constant 16 : i32
      %add3A_541 = vector.broadcast %add3A_540 : i32 to vector<16xi32>
      %add3A_542 = arith.addi %xor3A_536, %add3A_541 : vector<16xi32>
      %select_n3A_543 = arith.select %lt3A_539, %add3A_542, %xor3A_536 : vector<16xi1>, vector<16xi32>
      %broadcast_in_dim3A_544 = vector.shape_cast %select_n3A_543 : vector<16xi32> to vector<16x1xi32>
      %gather3A_545 = vector.shape_cast %broadcast_in_dim3A_544 : vector<16x1xi32> to vector<16xi32>
      %gather3A_546 = tpu.dynamic_gather %min3A_533[%gather3A_545] in [0] : vector<16xf32>, vector<16xi32> -> vector<16xf32>
      %min3A_547 = arith.minimumf %min3A_533, %gather3A_546 : vector<16xf32>
      %xor3A_548 = arith.constant 2 : i32
      %xor3A_549 = vector.broadcast %xor3A_548 : i32 to vector<16xi32>
      %xor3A_550 = arith.xori %iota3A, %xor3A_549 : vector<16xi32>
      %lt3A_551 = arith.constant 0 : i32
      %lt3A_552 = vector.broadcast %lt3A_551 : i32 to vector<16xi32>
      %lt3A_553 = arith.cmpi slt, %xor3A_550, %lt3A_552 : vector<16xi32>
      %add3A_554 = arith.constant 16 : i32
      %add3A_555 = vector.broadcast %add3A_554 : i32 to vector<16xi32>
      %add3A_556 = arith.addi %xor3A_550, %add3A_555 : vector<16xi32>
      %select_n3A_557 = arith.select %lt3A_553, %add3A_556, %xor3A_550 : vector<16xi1>, vector<16xi32>
      %broadcast_in_dim3A_558 = vector.shape_cast %select_n3A_557 : vector<16xi32> to vector<16x1xi32>
      %gather3A_559 = vector.shape_cast %broadcast_in_dim3A_558 : vector<16x1xi32> to vector<16xi32>
      %gather3A_560 = tpu.dynamic_gather %min3A_547[%gather3A_559] in [0] : vector<16xf32>, vector<16xi32> -> vector<16xf32>
      %min3A_561 = arith.minimumf %min3A_547, %gather3A_560 : vector<16xf32>
      %xor3A_562 = arith.constant 1 : i32
      %xor3A_563 = vector.broadcast %xor3A_562 : i32 to vector<16xi32>
      %xor3A_564 = arith.xori %iota3A, %xor3A_563 : vector<16xi32>
      %lt3A_565 = arith.constant 0 : i32
      %lt3A_566 = vector.broadcast %lt3A_565 : i32 to vector<16xi32>
      %lt3A_567 = arith.cmpi slt, %xor3A_564, %lt3A_566 : vector<16xi32>
      %add3A_568 = arith.constant 16 : i32
      %add3A_569 = vector.broadcast %add3A_568 : i32 to vector<16xi32>
      %add3A_570 = arith.addi %xor3A_564, %add3A_569 : vector<16xi32>
      %select_n3A_571 = arith.select %lt3A_567, %add3A_570, %xor3A_564 : vector<16xi1>, vector<16xi32>
      %broadcast_in_dim3A_572 = vector.shape_cast %select_n3A_571 : vector<16xi32> to vector<16x1xi32>
      %gather3A_573 = vector.shape_cast %broadcast_in_dim3A_572 : vector<16x1xi32> to vector<16xi32>
      %gather3A_574 = tpu.dynamic_gather %min3A_561[%gather3A_573] in [0] : vector<16xf32>, vector<16xi32> -> vector<16xf32>
      %min3A_575 = arith.minimumf %min3A_561, %gather3A_574 : vector<16xf32>
      %slice3A_576 = vector.extract_strided_slice %min3A_575 {offsets = [0], sizes = [1], strides = [1]} : vector<16xf32> to vector<1xf32>
      %squeeze3A_577 = vector.extract %slice3A_576[0] : f32 from vector<1xf32>
      %add3A_578 = arith.addf %add3A_519, %squeeze3A_577 : f32
      %xor3A_579 = arith.constant 8 : i32
      %xor3A_580 = vector.broadcast %xor3A_579 : i32 to vector<16xi32>
      %xor3A_581 = arith.xori %iota3A, %xor3A_580 : vector<16xi32>
      %lt3A_582 = arith.constant 0 : i32
      %lt3A_583 = vector.broadcast %lt3A_582 : i32 to vector<16xi32>
      %lt3A_584 = arith.cmpi slt, %xor3A_581, %lt3A_583 : vector<16xi32>
      %add3A_585 = arith.constant 16 : i32
      %add3A_586 = vector.broadcast %add3A_585 : i32 to vector<16xi32>
      %add3A_587 = arith.addi %xor3A_581, %add3A_586 : vector<16xi32>
      %select_n3A_588 = arith.select %lt3A_584, %add3A_587, %xor3A_581 : vector<16xi1>, vector<16xi32>
      %broadcast_in_dim3A_589 = vector.shape_cast %select_n3A_588 : vector<16xi32> to vector<16x1xi32>
      %gather3A_590 = vector.shape_cast %broadcast_in_dim3A_589 : vector<16x1xi32> to vector<16xi32>
      %gather3A_591 = tpu.dynamic_gather %scan3A_169#7[%gather3A_590] in [0] : vector<16xf32>, vector<16xi32> -> vector<16xf32>
      %min3A_592 = arith.minimumf %scan3A_169#7, %gather3A_591 : vector<16xf32>
      %xor3A_593 = arith.constant 4 : i32
      %xor3A_594 = vector.broadcast %xor3A_593 : i32 to vector<16xi32>
      %xor3A_595 = arith.xori %iota3A, %xor3A_594 : vector<16xi32>
      %lt3A_596 = arith.constant 0 : i32
      %lt3A_597 = vector.broadcast %lt3A_596 : i32 to vector<16xi32>
      %lt3A_598 = arith.cmpi slt, %xor3A_595, %lt3A_597 : vector<16xi32>
      %add3A_599 = arith.constant 16 : i32
      %add3A_600 = vector.broadcast %add3A_599 : i32 to vector<16xi32>
      %add3A_601 = arith.addi %xor3A_595, %add3A_600 : vector<16xi32>
      %select_n3A_602 = arith.select %lt3A_598, %add3A_601, %xor3A_595 : vector<16xi1>, vector<16xi32>
      %broadcast_in_dim3A_603 = vector.shape_cast %select_n3A_602 : vector<16xi32> to vector<16x1xi32>
      %gather3A_604 = vector.shape_cast %broadcast_in_dim3A_603 : vector<16x1xi32> to vector<16xi32>
      %gather3A_605 = tpu.dynamic_gather %min3A_592[%gather3A_604] in [0] : vector<16xf32>, vector<16xi32> -> vector<16xf32>
      %min3A_606 = arith.minimumf %min3A_592, %gather3A_605 : vector<16xf32>
      %xor3A_607 = arith.constant 2 : i32
      %xor3A_608 = vector.broadcast %xor3A_607 : i32 to vector<16xi32>
      %xor3A_609 = arith.xori %iota3A, %xor3A_608 : vector<16xi32>
      %lt3A_610 = arith.constant 0 : i32
      %lt3A_611 = vector.broadcast %lt3A_610 : i32 to vector<16xi32>
      %lt3A_612 = arith.cmpi slt, %xor3A_609, %lt3A_611 : vector<16xi32>
      %add3A_613 = arith.constant 16 : i32
      %add3A_614 = vector.broadcast %add3A_613 : i32 to vector<16xi32>
      %add3A_615 = arith.addi %xor3A_609, %add3A_614 : vector<16xi32>
      %select_n3A_616 = arith.select %lt3A_612, %add3A_615, %xor3A_609 : vector<16xi1>, vector<16xi32>
      %broadcast_in_dim3A_617 = vector.shape_cast %select_n3A_616 : vector<16xi32> to vector<16x1xi32>
      %gather3A_618 = vector.shape_cast %broadcast_in_dim3A_617 : vector<16x1xi32> to vector<16xi32>
      %gather3A_619 = tpu.dynamic_gather %min3A_606[%gather3A_618] in [0] : vector<16xf32>, vector<16xi32> -> vector<16xf32>
      %min3A_620 = arith.minimumf %min3A_606, %gather3A_619 : vector<16xf32>
      %xor3A_621 = arith.constant 1 : i32
      %xor3A_622 = vector.broadcast %xor3A_621 : i32 to vector<16xi32>
      %xor3A_623 = arith.xori %iota3A, %xor3A_622 : vector<16xi32>
      %lt3A_624 = arith.constant 0 : i32
      %lt3A_625 = vector.broadcast %lt3A_624 : i32 to vector<16xi32>
      %lt3A_626 = arith.cmpi slt, %xor3A_623, %lt3A_625 : vector<16xi32>
      %add3A_627 = arith.constant 16 : i32
      %add3A_628 = vector.broadcast %add3A_627 : i32 to vector<16xi32>
      %add3A_629 = arith.addi %xor3A_623, %add3A_628 : vector<16xi32>
      %select_n3A_630 = arith.select %lt3A_626, %add3A_629, %xor3A_623 : vector<16xi1>, vector<16xi32>
      %broadcast_in_dim3A_631 = vector.shape_cast %select_n3A_630 : vector<16xi32> to vector<16x1xi32>
      %gather3A_632 = vector.shape_cast %broadcast_in_dim3A_631 : vector<16x1xi32> to vector<16xi32>
      %gather3A_633 = tpu.dynamic_gather %min3A_620[%gather3A_632] in [0] : vector<16xf32>, vector<16xi32> -> vector<16xf32>
      %min3A_634 = arith.minimumf %min3A_620, %gather3A_633 : vector<16xf32>
      %slice3A_635 = vector.extract_strided_slice %min3A_634 {offsets = [0], sizes = [1], strides = [1]} : vector<16xf32> to vector<1xf32>
      %squeeze3A_636 = vector.extract %slice3A_635[0] : f32 from vector<1xf32>
      %add3A_637 = arith.addf %add3A_578, %squeeze3A_636 : f32
      %slice3A_638 = vector.extract_strided_slice %get3A_72 {offsets = [8], sizes = [1], strides = [1]} : vector<16xf32> to vector<1xf32>
      %squeeze3A_639 = vector.extract %slice3A_638[0] : f32 from vector<1xf32>
      %broadcast_in_dim3A_640 = vector.broadcast %squeeze3A_639 : f32 to vector<16xf32>
      %slice3A_641 = vector.extract_strided_slice %get3A_72 {offsets = [9], sizes = [1], strides = [1]} : vector<16xf32> to vector<1xf32>
      %squeeze3A_642 = vector.extract %slice3A_641[0] : f32 from vector<1xf32>
      %broadcast_in_dim3A_643 = vector.broadcast %squeeze3A_642 : f32 to vector<16xf32>
      %slice3A_644 = vector.extract_strided_slice %get3A_72 {offsets = [10], sizes = [1], strides = [1]} : vector<16xf32> to vector<1xf32>
      %squeeze3A_645 = vector.extract %slice3A_644[0] : f32 from vector<1xf32>
      %broadcast_in_dim3A_646 = vector.broadcast %squeeze3A_645 : f32 to vector<16xf32>
      %slice3A_647 = vector.extract_strided_slice %get3A_72 {offsets = [11], sizes = [1], strides = [1]} : vector<16xf32> to vector<1xf32>
      %squeeze3A_648 = vector.extract %slice3A_647[0] : f32 from vector<1xf32>
      %broadcast_in_dim3A_649 = vector.broadcast %squeeze3A_648 : f32 to vector<16xf32>
      %slice3A_650 = vector.extract_strided_slice %get3A_72 {offsets = [12], sizes = [1], strides = [1]} : vector<16xf32> to vector<1xf32>
      %squeeze3A_651 = vector.extract %slice3A_650[0] : f32 from vector<1xf32>
      %broadcast_in_dim3A_652 = vector.broadcast %squeeze3A_651 : f32 to vector<16xf32>
      %slice3A_653 = vector.extract_strided_slice %get3A_72 {offsets = [13], sizes = [1], strides = [1]} : vector<16xf32> to vector<1xf32>
      %squeeze3A_654 = vector.extract %slice3A_653[0] : f32 from vector<1xf32>
      %broadcast_in_dim3A_655 = vector.broadcast %squeeze3A_654 : f32 to vector<16xf32>
      %slice3A_656 = vector.extract_strided_slice %get3A_72 {offsets = [14], sizes = [1], strides = [1]} : vector<16xf32> to vector<1xf32>
      %squeeze3A_657 = vector.extract %slice3A_656[0] : f32 from vector<1xf32>
      %broadcast_in_dim3A_658 = vector.broadcast %squeeze3A_657 : f32 to vector<16xf32>
      %slice3A_659 = vector.extract_strided_slice %get3A_72 {offsets = [15], sizes = [1], strides = [1]} : vector<16xf32> to vector<1xf32>
      %squeeze3A_660 = vector.extract %slice3A_659[0] : f32 from vector<1xf32>
      %broadcast_in_dim3A_661 = vector.broadcast %squeeze3A_660 : f32 to vector<16xf32>
      %slice3A_662 = vector.extract_strided_slice %get3A_75 {offsets = [8], sizes = [1], strides = [1]} : vector<16xf32> to vector<1xf32>
      %squeeze3A_663 = vector.extract %slice3A_662[0] : f32 from vector<1xf32>
      %broadcast_in_dim3A_664 = vector.broadcast %squeeze3A_663 : f32 to vector<16xf32>
      %slice3A_665 = vector.extract_strided_slice %get3A_75 {offsets = [9], sizes = [1], strides = [1]} : vector<16xf32> to vector<1xf32>
      %squeeze3A_666 = vector.extract %slice3A_665[0] : f32 from vector<1xf32>
      %broadcast_in_dim3A_667 = vector.broadcast %squeeze3A_666 : f32 to vector<16xf32>
      %slice3A_668 = vector.extract_strided_slice %get3A_75 {offsets = [10], sizes = [1], strides = [1]} : vector<16xf32> to vector<1xf32>
      %squeeze3A_669 = vector.extract %slice3A_668[0] : f32 from vector<1xf32>
      %broadcast_in_dim3A_670 = vector.broadcast %squeeze3A_669 : f32 to vector<16xf32>
      %slice3A_671 = vector.extract_strided_slice %get3A_75 {offsets = [11], sizes = [1], strides = [1]} : vector<16xf32> to vector<1xf32>
      %squeeze3A_672 = vector.extract %slice3A_671[0] : f32 from vector<1xf32>
      %broadcast_in_dim3A_673 = vector.broadcast %squeeze3A_672 : f32 to vector<16xf32>
      %slice3A_674 = vector.extract_strided_slice %get3A_75 {offsets = [12], sizes = [1], strides = [1]} : vector<16xf32> to vector<1xf32>
      %squeeze3A_675 = vector.extract %slice3A_674[0] : f32 from vector<1xf32>
      %broadcast_in_dim3A_676 = vector.broadcast %squeeze3A_675 : f32 to vector<16xf32>
      %slice3A_677 = vector.extract_strided_slice %get3A_75 {offsets = [13], sizes = [1], strides = [1]} : vector<16xf32> to vector<1xf32>
      %squeeze3A_678 = vector.extract %slice3A_677[0] : f32 from vector<1xf32>
      %broadcast_in_dim3A_679 = vector.broadcast %squeeze3A_678 : f32 to vector<16xf32>
      %slice3A_680 = vector.extract_strided_slice %get3A_75 {offsets = [14], sizes = [1], strides = [1]} : vector<16xf32> to vector<1xf32>
      %squeeze3A_681 = vector.extract %slice3A_680[0] : f32 from vector<1xf32>
      %broadcast_in_dim3A_682 = vector.broadcast %squeeze3A_681 : f32 to vector<16xf32>
      %slice3A_683 = vector.extract_strided_slice %get3A_75 {offsets = [15], sizes = [1], strides = [1]} : vector<16xf32> to vector<1xf32>
      %squeeze3A_684 = vector.extract %slice3A_683[0] : f32 from vector<1xf32>
      %broadcast_in_dim3A_685 = vector.broadcast %squeeze3A_684 : f32 to vector<16xf32>
      %slice3A_686 = vector.extract_strided_slice %get3A_78 {offsets = [8], sizes = [1], strides = [1]} : vector<16xf32> to vector<1xf32>
      %squeeze3A_687 = vector.extract %slice3A_686[0] : f32 from vector<1xf32>
      %broadcast_in_dim3A_688 = vector.broadcast %squeeze3A_687 : f32 to vector<16xf32>
      %slice3A_689 = vector.extract_strided_slice %get3A_78 {offsets = [9], sizes = [1], strides = [1]} : vector<16xf32> to vector<1xf32>
      %squeeze3A_690 = vector.extract %slice3A_689[0] : f32 from vector<1xf32>
      %broadcast_in_dim3A_691 = vector.broadcast %squeeze3A_690 : f32 to vector<16xf32>
      %slice3A_692 = vector.extract_strided_slice %get3A_78 {offsets = [10], sizes = [1], strides = [1]} : vector<16xf32> to vector<1xf32>
      %squeeze3A_693 = vector.extract %slice3A_692[0] : f32 from vector<1xf32>
      %broadcast_in_dim3A_694 = vector.broadcast %squeeze3A_693 : f32 to vector<16xf32>
      %slice3A_695 = vector.extract_strided_slice %get3A_78 {offsets = [11], sizes = [1], strides = [1]} : vector<16xf32> to vector<1xf32>
      %squeeze3A_696 = vector.extract %slice3A_695[0] : f32 from vector<1xf32>
      %broadcast_in_dim3A_697 = vector.broadcast %squeeze3A_696 : f32 to vector<16xf32>
      %slice3A_698 = vector.extract_strided_slice %get3A_78 {offsets = [12], sizes = [1], strides = [1]} : vector<16xf32> to vector<1xf32>
      %squeeze3A_699 = vector.extract %slice3A_698[0] : f32 from vector<1xf32>
      %broadcast_in_dim3A_700 = vector.broadcast %squeeze3A_699 : f32 to vector<16xf32>
      %slice3A_701 = vector.extract_strided_slice %get3A_78 {offsets = [13], sizes = [1], strides = [1]} : vector<16xf32> to vector<1xf32>
      %squeeze3A_702 = vector.extract %slice3A_701[0] : f32 from vector<1xf32>
      %broadcast_in_dim3A_703 = vector.broadcast %squeeze3A_702 : f32 to vector<16xf32>
      %slice3A_704 = vector.extract_strided_slice %get3A_78 {offsets = [14], sizes = [1], strides = [1]} : vector<16xf32> to vector<1xf32>
      %squeeze3A_705 = vector.extract %slice3A_704[0] : f32 from vector<1xf32>
      %broadcast_in_dim3A_706 = vector.broadcast %squeeze3A_705 : f32 to vector<16xf32>
      %slice3A_707 = vector.extract_strided_slice %get3A_78 {offsets = [15], sizes = [1], strides = [1]} : vector<16xf32> to vector<1xf32>
      %squeeze3A_708 = vector.extract %slice3A_707[0] : f32 from vector<1xf32>
      %broadcast_in_dim3A_709 = vector.broadcast %squeeze3A_708 : f32 to vector<16xf32>
      %broadcast_in_dim3A_710 = arith.constant 3.000000e+38 : f32
      %broadcast_in_dim3A_711 = vector.broadcast %broadcast_in_dim3A_710 : f32 to vector<16xf32>
      %broadcast_in_dim3A_712 = arith.constant 3.000000e+38 : f32
      %broadcast_in_dim3A_713 = vector.broadcast %broadcast_in_dim3A_712 : f32 to vector<16xf32>
      %broadcast_in_dim3A_714 = arith.constant 3.000000e+38 : f32
      %broadcast_in_dim3A_715 = vector.broadcast %broadcast_in_dim3A_714 : f32 to vector<16xf32>
      %broadcast_in_dim3A_716 = arith.constant 3.000000e+38 : f32
      %broadcast_in_dim3A_717 = vector.broadcast %broadcast_in_dim3A_716 : f32 to vector<16xf32>
      %broadcast_in_dim3A_718 = arith.constant 3.000000e+38 : f32
      %broadcast_in_dim3A_719 = vector.broadcast %broadcast_in_dim3A_718 : f32 to vector<16xf32>
      %broadcast_in_dim3A_720 = arith.constant 3.000000e+38 : f32
      %broadcast_in_dim3A_721 = vector.broadcast %broadcast_in_dim3A_720 : f32 to vector<16xf32>
      %broadcast_in_dim3A_722 = arith.constant 3.000000e+38 : f32
      %broadcast_in_dim3A_723 = vector.broadcast %broadcast_in_dim3A_722 : f32 to vector<16xf32>
      %broadcast_in_dim3A_724 = arith.constant 3.000000e+38 : f32
      %broadcast_in_dim3A_725 = vector.broadcast %broadcast_in_dim3A_724 : f32 to vector<16xf32>
      %scan3A_726 = arith.constant 0 : i32
      %scan3A_727 = arith.constant 128 : i32
      %scan3A_728 = arith.addi %scan3A_726, %scan3A_727 : i32
      %scan3A_729 = arith.constant 1 : i32
      %scan3A_730:8 = scf.for %scan3A_1205 = %scan3A_726 to %scan3A_728 step %scan3A_729 iter_args(%scan3A_1206 = %broadcast_in_dim3A_711, %scan3A_1207 = %broadcast_in_dim3A_713, %scan3A_1208 = %broadcast_in_dim3A_715, %scan3A_1209 = %broadcast_in_dim3A_717, %scan3A_1210 = %broadcast_in_dim3A_719, %scan3A_1211 = %broadcast_in_dim3A_721, %scan3A_1212 = %broadcast_in_dim3A_723, %scan3A_1213 = %broadcast_in_dim3A_725) -> (vector<16xf32>, vector<16xf32>, vector<16xf32>, vector<16xf32>, vector<16xf32>, vector<16xf32>, vector<16xf32>, vector<16xf32>)  : i32 {
        %mul3A_1214 = arith.constant 16 : i32
        %mul3A_1215 = arith.muli %scan3A_1205, %mul3A_1214 : i32
        %get3A_1216 = arith.index_cast %mul3A_1215 : i32 to index
        %get3A_1217 = tpu.vector_load %arg8[%get3A_1216] {strides = array<i32>} : memref<2048xf32, #tpu.memory_space<vmem>>, vector<16xf32>,
        %get3A_1218 = vector.shape_cast %get3A_1217 : vector<16xf32> to vector<16xf32>
        %mul3A_1219 = arith.constant 16 : i32
        %mul3A_1220 = arith.muli %scan3A_1205, %mul3A_1219 : i32
        %get3A_1221 = arith.index_cast %mul3A_1220 : i32 to index
        %get3A_1222 = tpu.vector_load %arg9[%get3A_1221] {strides = array<i32>} : memref<2048xf32, #tpu.memory_space<vmem>>, vector<16xf32>,
        %get3A_1223 = vector.shape_cast %get3A_1222 : vector<16xf32> to vector<16xf32>
        %mul3A_1224 = arith.constant 16 : i32
        %mul3A_1225 = arith.muli %scan3A_1205, %mul3A_1224 : i32
        %get3A_1226 = arith.index_cast %mul3A_1225 : i32 to index
        %get3A_1227 = tpu.vector_load %arg10[%get3A_1226] {strides = array<i32>} : memref<2048xf32, #tpu.memory_space<vmem>>, vector<16xf32>,
        %get3A_1228 = vector.shape_cast %get3A_1227 : vector<16xf32> to vector<16xf32>
        %mul3A_1229 = arith.constant 16 : i32
        %mul3A_1230 = arith.muli %scan3A_1205, %mul3A_1229 : i32
        %get3A_1231 = arith.index_cast %mul3A_1230 : i32 to index
        %get3A_1232 = tpu.vector_load %arg11[%get3A_1231] {strides = array<i32>} : memref<2048xf32, #tpu.memory_space<vmem>>, vector<16xf32>,
        %get3A_1233 = vector.shape_cast %get3A_1232 : vector<16xf32> to vector<16xf32>
        %sub3A = arith.subf %get3A_1218, %broadcast_in_dim3A_640 : vector<16xf32>
        %sub3A_1234 = arith.subf %get3A_1223, %broadcast_in_dim3A_664 : vector<16xf32>
        %sub3A_1235 = arith.subf %get3A_1228, %broadcast_in_dim3A_688 : vector<16xf32>
        %mul3A_1236 = arith.mulf %sub3A, %sub3A : vector<16xf32>
        %mul3A_1237 = arith.mulf %sub3A_1234, %sub3A_1234 : vector<16xf32>
        %add3A_1238 = arith.addf %mul3A_1236, %mul3A_1237 : vector<16xf32>
        %mul3A_1239 = arith.mulf %sub3A_1235, %sub3A_1235 : vector<16xf32>
        %add3A_1240 = arith.addf %add3A_1238, %mul3A_1239 : vector<16xf32>
        %min3A_1241 = arith.minimumf %scan3A_1206, %add3A_1240 : vector<16xf32>
        %min3A_1242 = arith.minimumf %get3A_1233, %add3A_1240 : vector<16xf32>
        %sub3A_1243 = arith.subf %get3A_1218, %broadcast_in_dim3A_643 : vector<16xf32>
        %sub3A_1244 = arith.subf %get3A_1223, %broadcast_in_dim3A_667 : vector<16xf32>
        %sub3A_1245 = arith.subf %get3A_1228, %broadcast_in_dim3A_691 : vector<16xf32>
        %mul3A_1246 = arith.mulf %sub3A_1243, %sub3A_1243 : vector<16xf32>
        %mul3A_1247 = arith.mulf %sub3A_1244, %sub3A_1244 : vector<16xf32>
        %add3A_1248 = arith.addf %mul3A_1246, %mul3A_1247 : vector<16xf32>
        %mul3A_1249 = arith.mulf %sub3A_1245, %sub3A_1245 : vector<16xf32>
        %add3A_1250 = arith.addf %add3A_1248, %mul3A_1249 : vector<16xf32>
        %min3A_1251 = arith.minimumf %scan3A_1207, %add3A_1250 : vector<16xf32>
        %min3A_1252 = arith.minimumf %min3A_1242, %add3A_1250 : vector<16xf32>
        %sub3A_1253 = arith.subf %get3A_1218, %broadcast_in_dim3A_646 : vector<16xf32>
        %sub3A_1254 = arith.subf %get3A_1223, %broadcast_in_dim3A_670 : vector<16xf32>
        %sub3A_1255 = arith.subf %get3A_1228, %broadcast_in_dim3A_694 : vector<16xf32>
        %mul3A_1256 = arith.mulf %sub3A_1253, %sub3A_1253 : vector<16xf32>
        %mul3A_1257 = arith.mulf %sub3A_1254, %sub3A_1254 : vector<16xf32>
        %add3A_1258 = arith.addf %mul3A_1256, %mul3A_1257 : vector<16xf32>
        %mul3A_1259 = arith.mulf %sub3A_1255, %sub3A_1255 : vector<16xf32>
        %add3A_1260 = arith.addf %add3A_1258, %mul3A_1259 : vector<16xf32>
        %min3A_1261 = arith.minimumf %scan3A_1208, %add3A_1260 : vector<16xf32>
        %min3A_1262 = arith.minimumf %min3A_1252, %add3A_1260 : vector<16xf32>
        %sub3A_1263 = arith.subf %get3A_1218, %broadcast_in_dim3A_649 : vector<16xf32>
        %sub3A_1264 = arith.subf %get3A_1223, %broadcast_in_dim3A_673 : vector<16xf32>
        %sub3A_1265 = arith.subf %get3A_1228, %broadcast_in_dim3A_697 : vector<16xf32>
        %mul3A_1266 = arith.mulf %sub3A_1263, %sub3A_1263 : vector<16xf32>
        %mul3A_1267 = arith.mulf %sub3A_1264, %sub3A_1264 : vector<16xf32>
        %add3A_1268 = arith.addf %mul3A_1266, %mul3A_1267 : vector<16xf32>
        %mul3A_1269 = arith.mulf %sub3A_1265, %sub3A_1265 : vector<16xf32>
        %add3A_1270 = arith.addf %add3A_1268, %mul3A_1269 : vector<16xf32>
        %min3A_1271 = arith.minimumf %scan3A_1209, %add3A_1270 : vector<16xf32>
        %min3A_1272 = arith.minimumf %min3A_1262, %add3A_1270 : vector<16xf32>
        %sub3A_1273 = arith.subf %get3A_1218, %broadcast_in_dim3A_652 : vector<16xf32>
        %sub3A_1274 = arith.subf %get3A_1223, %broadcast_in_dim3A_676 : vector<16xf32>
        %sub3A_1275 = arith.subf %get3A_1228, %broadcast_in_dim3A_700 : vector<16xf32>
        %mul3A_1276 = arith.mulf %sub3A_1273, %sub3A_1273 : vector<16xf32>
        %mul3A_1277 = arith.mulf %sub3A_1274, %sub3A_1274 : vector<16xf32>
        %add3A_1278 = arith.addf %mul3A_1276, %mul3A_1277 : vector<16xf32>
        %mul3A_1279 = arith.mulf %sub3A_1275, %sub3A_1275 : vector<16xf32>
        %add3A_1280 = arith.addf %add3A_1278, %mul3A_1279 : vector<16xf32>
        %min3A_1281 = arith.minimumf %scan3A_1210, %add3A_1280 : vector<16xf32>
        %min3A_1282 = arith.minimumf %min3A_1272, %add3A_1280 : vector<16xf32>
        %sub3A_1283 = arith.subf %get3A_1218, %broadcast_in_dim3A_655 : vector<16xf32>
        %sub3A_1284 = arith.subf %get3A_1223, %broadcast_in_dim3A_679 : vector<16xf32>
        %sub3A_1285 = arith.subf %get3A_1228, %broadcast_in_dim3A_703 : vector<16xf32>
        %mul3A_1286 = arith.mulf %sub3A_1283, %sub3A_1283 : vector<16xf32>
        %mul3A_1287 = arith.mulf %sub3A_1284, %sub3A_1284 : vector<16xf32>
        %add3A_1288 = arith.addf %mul3A_1286, %mul3A_1287 : vector<16xf32>
        %mul3A_1289 = arith.mulf %sub3A_1285, %sub3A_1285 : vector<16xf32>
        %add3A_1290 = arith.addf %add3A_1288, %mul3A_1289 : vector<16xf32>
        %min3A_1291 = arith.minimumf %scan3A_1211, %add3A_1290 : vector<16xf32>
        %min3A_1292 = arith.minimumf %min3A_1282, %add3A_1290 : vector<16xf32>
        %sub3A_1293 = arith.subf %get3A_1218, %broadcast_in_dim3A_658 : vector<16xf32>
        %sub3A_1294 = arith.subf %get3A_1223, %broadcast_in_dim3A_682 : vector<16xf32>
        %sub3A_1295 = arith.subf %get3A_1228, %broadcast_in_dim3A_706 : vector<16xf32>
        %mul3A_1296 = arith.mulf %sub3A_1293, %sub3A_1293 : vector<16xf32>
        %mul3A_1297 = arith.mulf %sub3A_1294, %sub3A_1294 : vector<16xf32>
        %add3A_1298 = arith.addf %mul3A_1296, %mul3A_1297 : vector<16xf32>
        %mul3A_1299 = arith.mulf %sub3A_1295, %sub3A_1295 : vector<16xf32>
        %add3A_1300 = arith.addf %add3A_1298, %mul3A_1299 : vector<16xf32>
        %min3A_1301 = arith.minimumf %scan3A_1212, %add3A_1300 : vector<16xf32>
        %min3A_1302 = arith.minimumf %min3A_1292, %add3A_1300 : vector<16xf32>
        %sub3A_1303 = arith.subf %get3A_1218, %broadcast_in_dim3A_661 : vector<16xf32>
        %sub3A_1304 = arith.subf %get3A_1223, %broadcast_in_dim3A_685 : vector<16xf32>
        %sub3A_1305 = arith.subf %get3A_1228, %broadcast_in_dim3A_709 : vector<16xf32>
        %mul3A_1306 = arith.mulf %sub3A_1303, %sub3A_1303 : vector<16xf32>
        %mul3A_1307 = arith.mulf %sub3A_1304, %sub3A_1304 : vector<16xf32>
        %add3A_1308 = arith.addf %mul3A_1306, %mul3A_1307 : vector<16xf32>
        %mul3A_1309 = arith.mulf %sub3A_1305, %sub3A_1305 : vector<16xf32>
        %add3A_1310 = arith.addf %add3A_1308, %mul3A_1309 : vector<16xf32>
        %min3A_1311 = arith.minimumf %scan3A_1213, %add3A_1310 : vector<16xf32>
        %min3A_1312 = arith.minimumf %min3A_1302, %add3A_1310 : vector<16xf32>
        %mul3A_1313 = arith.constant 16 : i32
        %mul3A_1314 = arith.muli %scan3A_1205, %mul3A_1313 : i32
        %swap3A_1315 = arith.index_cast %mul3A_1314 : i32 to index
        %swap3A_1316 = tpu.vector_load %arg11[%swap3A_1315] {strides = array<i32>} : memref<2048xf32, #tpu.memory_space<vmem>>, vector<16xf32>,
        %swap3A_1317 = vector.shape_cast %swap3A_1316 : vector<16xf32> to vector<16xf32>
        %swap3A_1318 = vector.shape_cast %min3A_1312 : vector<16xf32> to vector<16xf32>
        tpu.vector_store %arg11[%swap3A_1315], %swap3A_1318 {strides = array<i32>} : memref<2048xf32, #tpu.memory_space<vmem>>, vector<16xf32>,
        scf.yield %min3A_1241, %min3A_1251, %min3A_1261, %min3A_1271, %min3A_1281, %min3A_1291, %min3A_1301, %min3A_1311 : vector<16xf32>, vector<16xf32>, vector<16xf32>, vector<16xf32>, vector<16xf32>, vector<16xf32>, vector<16xf32>, vector<16xf32>
      }
      %scan3A_731 = arith.constant 128 : i32
      %iota3A_732 = tpu.iota {dimensions = array<i32: 0>} : vector<16xi32>
      %xor3A_733 = arith.constant 8 : i32
      %xor3A_734 = vector.broadcast %xor3A_733 : i32 to vector<16xi32>
      %xor3A_735 = arith.xori %iota3A_732, %xor3A_734 : vector<16xi32>
      %lt3A_736 = arith.constant 0 : i32
      %lt3A_737 = vector.broadcast %lt3A_736 : i32 to vector<16xi32>
      %lt3A_738 = arith.cmpi slt, %xor3A_735, %lt3A_737 : vector<16xi32>
      %add3A_739 = arith.constant 16 : i32
      %add3A_740 = vector.broadcast %add3A_739 : i32 to vector<16xi32>
      %add3A_741 = arith.addi %xor3A_735, %add3A_740 : vector<16xi32>
      %select_n3A_742 = arith.select %lt3A_738, %add3A_741, %xor3A_735 : vector<16xi1>, vector<16xi32>
      %broadcast_in_dim3A_743 = vector.shape_cast %select_n3A_742 : vector<16xi32> to vector<16x1xi32>
      %gather3A_744 = vector.shape_cast %broadcast_in_dim3A_743 : vector<16x1xi32> to vector<16xi32>
      %gather3A_745 = tpu.dynamic_gather %scan3A_730#0[%gather3A_744] in [0] : vector<16xf32>, vector<16xi32> -> vector<16xf32>
      %min3A_746 = arith.minimumf %scan3A_730#0, %gather3A_745 : vector<16xf32>
      %xor3A_747 = arith.constant 4 : i32
      %xor3A_748 = vector.broadcast %xor3A_747 : i32 to vector<16xi32>
      %xor3A_749 = arith.xori %iota3A_732, %xor3A_748 : vector<16xi32>
      %lt3A_750 = arith.constant 0 : i32
      %lt3A_751 = vector.broadcast %lt3A_750 : i32 to vector<16xi32>
      %lt3A_752 = arith.cmpi slt, %xor3A_749, %lt3A_751 : vector<16xi32>
      %add3A_753 = arith.constant 16 : i32
      %add3A_754 = vector.broadcast %add3A_753 : i32 to vector<16xi32>
      %add3A_755 = arith.addi %xor3A_749, %add3A_754 : vector<16xi32>
      %select_n3A_756 = arith.select %lt3A_752, %add3A_755, %xor3A_749 : vector<16xi1>, vector<16xi32>
      %broadcast_in_dim3A_757 = vector.shape_cast %select_n3A_756 : vector<16xi32> to vector<16x1xi32>
      %gather3A_758 = vector.shape_cast %broadcast_in_dim3A_757 : vector<16x1xi32> to vector<16xi32>
      %gather3A_759 = tpu.dynamic_gather %min3A_746[%gather3A_758] in [0] : vector<16xf32>, vector<16xi32> -> vector<16xf32>
      %min3A_760 = arith.minimumf %min3A_746, %gather3A_759 : vector<16xf32>
      %xor3A_761 = arith.constant 2 : i32
      %xor3A_762 = vector.broadcast %xor3A_761 : i32 to vector<16xi32>
      %xor3A_763 = arith.xori %iota3A_732, %xor3A_762 : vector<16xi32>
      %lt3A_764 = arith.constant 0 : i32
      %lt3A_765 = vector.broadcast %lt3A_764 : i32 to vector<16xi32>
      %lt3A_766 = arith.cmpi slt, %xor3A_763, %lt3A_765 : vector<16xi32>
      %add3A_767 = arith.constant 16 : i32
      %add3A_768 = vector.broadcast %add3A_767 : i32 to vector<16xi32>
      %add3A_769 = arith.addi %xor3A_763, %add3A_768 : vector<16xi32>
      %select_n3A_770 = arith.select %lt3A_766, %add3A_769, %xor3A_763 : vector<16xi1>, vector<16xi32>
      %broadcast_in_dim3A_771 = vector.shape_cast %select_n3A_770 : vector<16xi32> to vector<16x1xi32>
      %gather3A_772 = vector.shape_cast %broadcast_in_dim3A_771 : vector<16x1xi32> to vector<16xi32>
      %gather3A_773 = tpu.dynamic_gather %min3A_760[%gather3A_772] in [0] : vector<16xf32>, vector<16xi32> -> vector<16xf32>
      %min3A_774 = arith.minimumf %min3A_760, %gather3A_773 : vector<16xf32>
      %xor3A_775 = arith.constant 1 : i32
      %xor3A_776 = vector.broadcast %xor3A_775 : i32 to vector<16xi32>
      %xor3A_777 = arith.xori %iota3A_732, %xor3A_776 : vector<16xi32>
      %lt3A_778 = arith.constant 0 : i32
      %lt3A_779 = vector.broadcast %lt3A_778 : i32 to vector<16xi32>
      %lt3A_780 = arith.cmpi slt, %xor3A_777, %lt3A_779 : vector<16xi32>
      %add3A_781 = arith.constant 16 : i32
      %add3A_782 = vector.broadcast %add3A_781 : i32 to vector<16xi32>
      %add3A_783 = arith.addi %xor3A_777, %add3A_782 : vector<16xi32>
      %select_n3A_784 = arith.select %lt3A_780, %add3A_783, %xor3A_777 : vector<16xi1>, vector<16xi32>
      %broadcast_in_dim3A_785 = vector.shape_cast %select_n3A_784 : vector<16xi32> to vector<16x1xi32>
      %gather3A_786 = vector.shape_cast %broadcast_in_dim3A_785 : vector<16x1xi32> to vector<16xi32>
      %gather3A_787 = tpu.dynamic_gather %min3A_774[%gather3A_786] in [0] : vector<16xf32>, vector<16xi32> -> vector<16xf32>
      %min3A_788 = arith.minimumf %min3A_774, %gather3A_787 : vector<16xf32>
      %slice3A_789 = vector.extract_strided_slice %min3A_788 {offsets = [0], sizes = [1], strides = [1]} : vector<16xf32> to vector<1xf32>
      %squeeze3A_790 = vector.extract %slice3A_789[0] : f32 from vector<1xf32>
      %add3A_791 = arith.addf %add3A_637, %squeeze3A_790 : f32
      %xor3A_792 = arith.constant 8 : i32
      %xor3A_793 = vector.broadcast %xor3A_792 : i32 to vector<16xi32>
      %xor3A_794 = arith.xori %iota3A_732, %xor3A_793 : vector<16xi32>
      %lt3A_795 = arith.constant 0 : i32
      %lt3A_796 = vector.broadcast %lt3A_795 : i32 to vector<16xi32>
      %lt3A_797 = arith.cmpi slt, %xor3A_794, %lt3A_796 : vector<16xi32>
      %add3A_798 = arith.constant 16 : i32
      %add3A_799 = vector.broadcast %add3A_798 : i32 to vector<16xi32>
      %add3A_800 = arith.addi %xor3A_794, %add3A_799 : vector<16xi32>
      %select_n3A_801 = arith.select %lt3A_797, %add3A_800, %xor3A_794 : vector<16xi1>, vector<16xi32>
      %broadcast_in_dim3A_802 = vector.shape_cast %select_n3A_801 : vector<16xi32> to vector<16x1xi32>
      %gather3A_803 = vector.shape_cast %broadcast_in_dim3A_802 : vector<16x1xi32> to vector<16xi32>
      %gather3A_804 = tpu.dynamic_gather %scan3A_730#1[%gather3A_803] in [0] : vector<16xf32>, vector<16xi32> -> vector<16xf32>
      %min3A_805 = arith.minimumf %scan3A_730#1, %gather3A_804 : vector<16xf32>
      %xor3A_806 = arith.constant 4 : i32
      %xor3A_807 = vector.broadcast %xor3A_806 : i32 to vector<16xi32>
      %xor3A_808 = arith.xori %iota3A_732, %xor3A_807 : vector<16xi32>
      %lt3A_809 = arith.constant 0 : i32
      %lt3A_810 = vector.broadcast %lt3A_809 : i32 to vector<16xi32>
      %lt3A_811 = arith.cmpi slt, %xor3A_808, %lt3A_810 : vector<16xi32>
      %add3A_812 = arith.constant 16 : i32
      %add3A_813 = vector.broadcast %add3A_812 : i32 to vector<16xi32>
      %add3A_814 = arith.addi %xor3A_808, %add3A_813 : vector<16xi32>
      %select_n3A_815 = arith.select %lt3A_811, %add3A_814, %xor3A_808 : vector<16xi1>, vector<16xi32>
      %broadcast_in_dim3A_816 = vector.shape_cast %select_n3A_815 : vector<16xi32> to vector<16x1xi32>
      %gather3A_817 = vector.shape_cast %broadcast_in_dim3A_816 : vector<16x1xi32> to vector<16xi32>
      %gather3A_818 = tpu.dynamic_gather %min3A_805[%gather3A_817] in [0] : vector<16xf32>, vector<16xi32> -> vector<16xf32>
      %min3A_819 = arith.minimumf %min3A_805, %gather3A_818 : vector<16xf32>
      %xor3A_820 = arith.constant 2 : i32
      %xor3A_821 = vector.broadcast %xor3A_820 : i32 to vector<16xi32>
      %xor3A_822 = arith.xori %iota3A_732, %xor3A_821 : vector<16xi32>
      %lt3A_823 = arith.constant 0 : i32
      %lt3A_824 = vector.broadcast %lt3A_823 : i32 to vector<16xi32>
      %lt3A_825 = arith.cmpi slt, %xor3A_822, %lt3A_824 : vector<16xi32>
      %add3A_826 = arith.constant 16 : i32
      %add3A_827 = vector.broadcast %add3A_826 : i32 to vector<16xi32>
      %add3A_828 = arith.addi %xor3A_822, %add3A_827 : vector<16xi32>
      %select_n3A_829 = arith.select %lt3A_825, %add3A_828, %xor3A_822 : vector<16xi1>, vector<16xi32>
      %broadcast_in_dim3A_830 = vector.shape_cast %select_n3A_829 : vector<16xi32> to vector<16x1xi32>
      %gather3A_831 = vector.shape_cast %broadcast_in_dim3A_830 : vector<16x1xi32> to vector<16xi32>
      %gather3A_832 = tpu.dynamic_gather %min3A_819[%gather3A_831] in [0] : vector<16xf32>, vector<16xi32> -> vector<16xf32>
      %min3A_833 = arith.minimumf %min3A_819, %gather3A_832 : vector<16xf32>
      %xor3A_834 = arith.constant 1 : i32
      %xor3A_835 = vector.broadcast %xor3A_834 : i32 to vector<16xi32>
      %xor3A_836 = arith.xori %iota3A_732, %xor3A_835 : vector<16xi32>
      %lt3A_837 = arith.constant 0 : i32
      %lt3A_838 = vector.broadcast %lt3A_837 : i32 to vector<16xi32>
      %lt3A_839 = arith.cmpi slt, %xor3A_836, %lt3A_838 : vector<16xi32>
      %add3A_840 = arith.constant 16 : i32
      %add3A_841 = vector.broadcast %add3A_840 : i32 to vector<16xi32>
      %add3A_842 = arith.addi %xor3A_836, %add3A_841 : vector<16xi32>
      %select_n3A_843 = arith.select %lt3A_839, %add3A_842, %xor3A_836 : vector<16xi1>, vector<16xi32>
      %broadcast_in_dim3A_844 = vector.shape_cast %select_n3A_843 : vector<16xi32> to vector<16x1xi32>
      %gather3A_845 = vector.shape_cast %broadcast_in_dim3A_844 : vector<16x1xi32> to vector<16xi32>
      %gather3A_846 = tpu.dynamic_gather %min3A_833[%gather3A_845] in [0] : vector<16xf32>, vector<16xi32> -> vector<16xf32>
      %min3A_847 = arith.minimumf %min3A_833, %gather3A_846 : vector<16xf32>
      %slice3A_848 = vector.extract_strided_slice %min3A_847 {offsets = [0], sizes = [1], strides = [1]} : vector<16xf32> to vector<1xf32>
      %squeeze3A_849 = vector.extract %slice3A_848[0] : f32 from vector<1xf32>
      %add3A_850 = arith.addf %add3A_791, %squeeze3A_849 : f32
      %xor3A_851 = arith.constant 8 : i32
      %xor3A_852 = vector.broadcast %xor3A_851 : i32 to vector<16xi32>
      %xor3A_853 = arith.xori %iota3A_732, %xor3A_852 : vector<16xi32>
      %lt3A_854 = arith.constant 0 : i32
      %lt3A_855 = vector.broadcast %lt3A_854 : i32 to vector<16xi32>
      %lt3A_856 = arith.cmpi slt, %xor3A_853, %lt3A_855 : vector<16xi32>
      %add3A_857 = arith.constant 16 : i32
      %add3A_858 = vector.broadcast %add3A_857 : i32 to vector<16xi32>
      %add3A_859 = arith.addi %xor3A_853, %add3A_858 : vector<16xi32>
      %select_n3A_860 = arith.select %lt3A_856, %add3A_859, %xor3A_853 : vector<16xi1>, vector<16xi32>
      %broadcast_in_dim3A_861 = vector.shape_cast %select_n3A_860 : vector<16xi32> to vector<16x1xi32>
      %gather3A_862 = vector.shape_cast %broadcast_in_dim3A_861 : vector<16x1xi32> to vector<16xi32>
      %gather3A_863 = tpu.dynamic_gather %scan3A_730#2[%gather3A_862] in [0] : vector<16xf32>, vector<16xi32> -> vector<16xf32>
      %min3A_864 = arith.minimumf %scan3A_730#2, %gather3A_863 : vector<16xf32>
      %xor3A_865 = arith.constant 4 : i32
      %xor3A_866 = vector.broadcast %xor3A_865 : i32 to vector<16xi32>
      %xor3A_867 = arith.xori %iota3A_732, %xor3A_866 : vector<16xi32>
      %lt3A_868 = arith.constant 0 : i32
      %lt3A_869 = vector.broadcast %lt3A_868 : i32 to vector<16xi32>
      %lt3A_870 = arith.cmpi slt, %xor3A_867, %lt3A_869 : vector<16xi32>
      %add3A_871 = arith.constant 16 : i32
      %add3A_872 = vector.broadcast %add3A_871 : i32 to vector<16xi32>
      %add3A_873 = arith.addi %xor3A_867, %add3A_872 : vector<16xi32>
      %select_n3A_874 = arith.select %lt3A_870, %add3A_873, %xor3A_867 : vector<16xi1>, vector<16xi32>
      %broadcast_in_dim3A_875 = vector.shape_cast %select_n3A_874 : vector<16xi32> to vector<16x1xi32>
      %gather3A_876 = vector.shape_cast %broadcast_in_dim3A_875 : vector<16x1xi32> to vector<16xi32>
      %gather3A_877 = tpu.dynamic_gather %min3A_864[%gather3A_876] in [0] : vector<16xf32>, vector<16xi32> -> vector<16xf32>
      %min3A_878 = arith.minimumf %min3A_864, %gather3A_877 : vector<16xf32>
      %xor3A_879 = arith.constant 2 : i32
      %xor3A_880 = vector.broadcast %xor3A_879 : i32 to vector<16xi32>
      %xor3A_881 = arith.xori %iota3A_732, %xor3A_880 : vector<16xi32>
      %lt3A_882 = arith.constant 0 : i32
      %lt3A_883 = vector.broadcast %lt3A_882 : i32 to vector<16xi32>
      %lt3A_884 = arith.cmpi slt, %xor3A_881, %lt3A_883 : vector<16xi32>
      %add3A_885 = arith.constant 16 : i32
      %add3A_886 = vector.broadcast %add3A_885 : i32 to vector<16xi32>
      %add3A_887 = arith.addi %xor3A_881, %add3A_886 : vector<16xi32>
      %select_n3A_888 = arith.select %lt3A_884, %add3A_887, %xor3A_881 : vector<16xi1>, vector<16xi32>
      %broadcast_in_dim3A_889 = vector.shape_cast %select_n3A_888 : vector<16xi32> to vector<16x1xi32>
      %gather3A_890 = vector.shape_cast %broadcast_in_dim3A_889 : vector<16x1xi32> to vector<16xi32>
      %gather3A_891 = tpu.dynamic_gather %min3A_878[%gather3A_890] in [0] : vector<16xf32>, vector<16xi32> -> vector<16xf32>
      %min3A_892 = arith.minimumf %min3A_878, %gather3A_891 : vector<16xf32>
      %xor3A_893 = arith.constant 1 : i32
      %xor3A_894 = vector.broadcast %xor3A_893 : i32 to vector<16xi32>
      %xor3A_895 = arith.xori %iota3A_732, %xor3A_894 : vector<16xi32>
      %lt3A_896 = arith.constant 0 : i32
      %lt3A_897 = vector.broadcast %lt3A_896 : i32 to vector<16xi32>
      %lt3A_898 = arith.cmpi slt, %xor3A_895, %lt3A_897 : vector<16xi32>
      %add3A_899 = arith.constant 16 : i32
      %add3A_900 = vector.broadcast %add3A_899 : i32 to vector<16xi32>
      %add3A_901 = arith.addi %xor3A_895, %add3A_900 : vector<16xi32>
      %select_n3A_902 = arith.select %lt3A_898, %add3A_901, %xor3A_895 : vector<16xi1>, vector<16xi32>
      %broadcast_in_dim3A_903 = vector.shape_cast %select_n3A_902 : vector<16xi32> to vector<16x1xi32>
      %gather3A_904 = vector.shape_cast %broadcast_in_dim3A_903 : vector<16x1xi32> to vector<16xi32>
      %gather3A_905 = tpu.dynamic_gather %min3A_892[%gather3A_904] in [0] : vector<16xf32>, vector<16xi32> -> vector<16xf32>
      %min3A_906 = arith.minimumf %min3A_892, %gather3A_905 : vector<16xf32>
      %slice3A_907 = vector.extract_strided_slice %min3A_906 {offsets = [0], sizes = [1], strides = [1]} : vector<16xf32> to vector<1xf32>
      %squeeze3A_908 = vector.extract %slice3A_907[0] : f32 from vector<1xf32>
      %add3A_909 = arith.addf %add3A_850, %squeeze3A_908 : f32
      %xor3A_910 = arith.constant 8 : i32
      %xor3A_911 = vector.broadcast %xor3A_910 : i32 to vector<16xi32>
      %xor3A_912 = arith.xori %iota3A_732, %xor3A_911 : vector<16xi32>
      %lt3A_913 = arith.constant 0 : i32
      %lt3A_914 = vector.broadcast %lt3A_913 : i32 to vector<16xi32>
      %lt3A_915 = arith.cmpi slt, %xor3A_912, %lt3A_914 : vector<16xi32>
      %add3A_916 = arith.constant 16 : i32
      %add3A_917 = vector.broadcast %add3A_916 : i32 to vector<16xi32>
      %add3A_918 = arith.addi %xor3A_912, %add3A_917 : vector<16xi32>
      %select_n3A_919 = arith.select %lt3A_915, %add3A_918, %xor3A_912 : vector<16xi1>, vector<16xi32>
      %broadcast_in_dim3A_920 = vector.shape_cast %select_n3A_919 : vector<16xi32> to vector<16x1xi32>
      %gather3A_921 = vector.shape_cast %broadcast_in_dim3A_920 : vector<16x1xi32> to vector<16xi32>
      %gather3A_922 = tpu.dynamic_gather %scan3A_730#3[%gather3A_921] in [0] : vector<16xf32>, vector<16xi32> -> vector<16xf32>
      %min3A_923 = arith.minimumf %scan3A_730#3, %gather3A_922 : vector<16xf32>
      %xor3A_924 = arith.constant 4 : i32
      %xor3A_925 = vector.broadcast %xor3A_924 : i32 to vector<16xi32>
      %xor3A_926 = arith.xori %iota3A_732, %xor3A_925 : vector<16xi32>
      %lt3A_927 = arith.constant 0 : i32
      %lt3A_928 = vector.broadcast %lt3A_927 : i32 to vector<16xi32>
      %lt3A_929 = arith.cmpi slt, %xor3A_926, %lt3A_928 : vector<16xi32>
      %add3A_930 = arith.constant 16 : i32
      %add3A_931 = vector.broadcast %add3A_930 : i32 to vector<16xi32>
      %add3A_932 = arith.addi %xor3A_926, %add3A_931 : vector<16xi32>
      %select_n3A_933 = arith.select %lt3A_929, %add3A_932, %xor3A_926 : vector<16xi1>, vector<16xi32>
      %broadcast_in_dim3A_934 = vector.shape_cast %select_n3A_933 : vector<16xi32> to vector<16x1xi32>
      %gather3A_935 = vector.shape_cast %broadcast_in_dim3A_934 : vector<16x1xi32> to vector<16xi32>
      %gather3A_936 = tpu.dynamic_gather %min3A_923[%gather3A_935] in [0] : vector<16xf32>, vector<16xi32> -> vector<16xf32>
      %min3A_937 = arith.minimumf %min3A_923, %gather3A_936 : vector<16xf32>
      %xor3A_938 = arith.constant 2 : i32
      %xor3A_939 = vector.broadcast %xor3A_938 : i32 to vector<16xi32>
      %xor3A_940 = arith.xori %iota3A_732, %xor3A_939 : vector<16xi32>
      %lt3A_941 = arith.constant 0 : i32
      %lt3A_942 = vector.broadcast %lt3A_941 : i32 to vector<16xi32>
      %lt3A_943 = arith.cmpi slt, %xor3A_940, %lt3A_942 : vector<16xi32>
      %add3A_944 = arith.constant 16 : i32
      %add3A_945 = vector.broadcast %add3A_944 : i32 to vector<16xi32>
      %add3A_946 = arith.addi %xor3A_940, %add3A_945 : vector<16xi32>
      %select_n3A_947 = arith.select %lt3A_943, %add3A_946, %xor3A_940 : vector<16xi1>, vector<16xi32>
      %broadcast_in_dim3A_948 = vector.shape_cast %select_n3A_947 : vector<16xi32> to vector<16x1xi32>
      %gather3A_949 = vector.shape_cast %broadcast_in_dim3A_948 : vector<16x1xi32> to vector<16xi32>
      %gather3A_950 = tpu.dynamic_gather %min3A_937[%gather3A_949] in [0] : vector<16xf32>, vector<16xi32> -> vector<16xf32>
      %min3A_951 = arith.minimumf %min3A_937, %gather3A_950 : vector<16xf32>
      %xor3A_952 = arith.constant 1 : i32
      %xor3A_953 = vector.broadcast %xor3A_952 : i32 to vector<16xi32>
      %xor3A_954 = arith.xori %iota3A_732, %xor3A_953 : vector<16xi32>
      %lt3A_955 = arith.constant 0 : i32
      %lt3A_956 = vector.broadcast %lt3A_955 : i32 to vector<16xi32>
      %lt3A_957 = arith.cmpi slt, %xor3A_954, %lt3A_956 : vector<16xi32>
      %add3A_958 = arith.constant 16 : i32
      %add3A_959 = vector.broadcast %add3A_958 : i32 to vector<16xi32>
      %add3A_960 = arith.addi %xor3A_954, %add3A_959 : vector<16xi32>
      %select_n3A_961 = arith.select %lt3A_957, %add3A_960, %xor3A_954 : vector<16xi1>, vector<16xi32>
      %broadcast_in_dim3A_962 = vector.shape_cast %select_n3A_961 : vector<16xi32> to vector<16x1xi32>
      %gather3A_963 = vector.shape_cast %broadcast_in_dim3A_962 : vector<16x1xi32> to vector<16xi32>
      %gather3A_964 = tpu.dynamic_gather %min3A_951[%gather3A_963] in [0] : vector<16xf32>, vector<16xi32> -> vector<16xf32>
      %min3A_965 = arith.minimumf %min3A_951, %gather3A_964 : vector<16xf32>
      %slice3A_966 = vector.extract_strided_slice %min3A_965 {offsets = [0], sizes = [1], strides = [1]} : vector<16xf32> to vector<1xf32>
      %squeeze3A_967 = vector.extract %slice3A_966[0] : f32 from vector<1xf32>
      %add3A_968 = arith.addf %add3A_909, %squeeze3A_967 : f32
      %xor3A_969 = arith.constant 8 : i32
      %xor3A_970 = vector.broadcast %xor3A_969 : i32 to vector<16xi32>
      %xor3A_971 = arith.xori %iota3A_732, %xor3A_970 : vector<16xi32>
      %lt3A_972 = arith.constant 0 : i32
      %lt3A_973 = vector.broadcast %lt3A_972 : i32 to vector<16xi32>
      %lt3A_974 = arith.cmpi slt, %xor3A_971, %lt3A_973 : vector<16xi32>
      %add3A_975 = arith.constant 16 : i32
      %add3A_976 = vector.broadcast %add3A_975 : i32 to vector<16xi32>
      %add3A_977 = arith.addi %xor3A_971, %add3A_976 : vector<16xi32>
      %select_n3A_978 = arith.select %lt3A_974, %add3A_977, %xor3A_971 : vector<16xi1>, vector<16xi32>
      %broadcast_in_dim3A_979 = vector.shape_cast %select_n3A_978 : vector<16xi32> to vector<16x1xi32>
      %gather3A_980 = vector.shape_cast %broadcast_in_dim3A_979 : vector<16x1xi32> to vector<16xi32>
      %gather3A_981 = tpu.dynamic_gather %scan3A_730#4[%gather3A_980] in [0] : vector<16xf32>, vector<16xi32> -> vector<16xf32>
      %min3A_982 = arith.minimumf %scan3A_730#4, %gather3A_981 : vector<16xf32>
      %xor3A_983 = arith.constant 4 : i32
      %xor3A_984 = vector.broadcast %xor3A_983 : i32 to vector<16xi32>
      %xor3A_985 = arith.xori %iota3A_732, %xor3A_984 : vector<16xi32>
      %lt3A_986 = arith.constant 0 : i32
      %lt3A_987 = vector.broadcast %lt3A_986 : i32 to vector<16xi32>
      %lt3A_988 = arith.cmpi slt, %xor3A_985, %lt3A_987 : vector<16xi32>
      %add3A_989 = arith.constant 16 : i32
      %add3A_990 = vector.broadcast %add3A_989 : i32 to vector<16xi32>
      %add3A_991 = arith.addi %xor3A_985, %add3A_990 : vector<16xi32>
      %select_n3A_992 = arith.select %lt3A_988, %add3A_991, %xor3A_985 : vector<16xi1>, vector<16xi32>
      %broadcast_in_dim3A_993 = vector.shape_cast %select_n3A_992 : vector<16xi32> to vector<16x1xi32>
      %gather3A_994 = vector.shape_cast %broadcast_in_dim3A_993 : vector<16x1xi32> to vector<16xi32>
      %gather3A_995 = tpu.dynamic_gather %min3A_982[%gather3A_994] in [0] : vector<16xf32>, vector<16xi32> -> vector<16xf32>
      %min3A_996 = arith.minimumf %min3A_982, %gather3A_995 : vector<16xf32>
      %xor3A_997 = arith.constant 2 : i32
      %xor3A_998 = vector.broadcast %xor3A_997 : i32 to vector<16xi32>
      %xor3A_999 = arith.xori %iota3A_732, %xor3A_998 : vector<16xi32>
      %lt3A_1000 = arith.constant 0 : i32
      %lt3A_1001 = vector.broadcast %lt3A_1000 : i32 to vector<16xi32>
      %lt3A_1002 = arith.cmpi slt, %xor3A_999, %lt3A_1001 : vector<16xi32>
      %add3A_1003 = arith.constant 16 : i32
      %add3A_1004 = vector.broadcast %add3A_1003 : i32 to vector<16xi32>
      %add3A_1005 = arith.addi %xor3A_999, %add3A_1004 : vector<16xi32>
      %select_n3A_1006 = arith.select %lt3A_1002, %add3A_1005, %xor3A_999 : vector<16xi1>, vector<16xi32>
      %broadcast_in_dim3A_1007 = vector.shape_cast %select_n3A_1006 : vector<16xi32> to vector<16x1xi32>
      %gather3A_1008 = vector.shape_cast %broadcast_in_dim3A_1007 : vector<16x1xi32> to vector<16xi32>
      %gather3A_1009 = tpu.dynamic_gather %min3A_996[%gather3A_1008] in [0] : vector<16xf32>, vector<16xi32> -> vector<16xf32>
      %min3A_1010 = arith.minimumf %min3A_996, %gather3A_1009 : vector<16xf32>
      %xor3A_1011 = arith.constant 1 : i32
      %xor3A_1012 = vector.broadcast %xor3A_1011 : i32 to vector<16xi32>
      %xor3A_1013 = arith.xori %iota3A_732, %xor3A_1012 : vector<16xi32>
      %lt3A_1014 = arith.constant 0 : i32
      %lt3A_1015 = vector.broadcast %lt3A_1014 : i32 to vector<16xi32>
      %lt3A_1016 = arith.cmpi slt, %xor3A_1013, %lt3A_1015 : vector<16xi32>
      %add3A_1017 = arith.constant 16 : i32
      %add3A_1018 = vector.broadcast %add3A_1017 : i32 to vector<16xi32>
      %add3A_1019 = arith.addi %xor3A_1013, %add3A_1018 : vector<16xi32>
      %select_n3A_1020 = arith.select %lt3A_1016, %add3A_1019, %xor3A_1013 : vector<16xi1>, vector<16xi32>
      %broadcast_in_dim3A_1021 = vector.shape_cast %select_n3A_1020 : vector<16xi32> to vector<16x1xi32>
      %gather3A_1022 = vector.shape_cast %broadcast_in_dim3A_1021 : vector<16x1xi32> to vector<16xi32>
      %gather3A_1023 = tpu.dynamic_gather %min3A_1010[%gather3A_1022] in [0] : vector<16xf32>, vector<16xi32> -> vector<16xf32>
      %min3A_1024 = arith.minimumf %min3A_1010, %gather3A_1023 : vector<16xf32>
      %slice3A_1025 = vector.extract_strided_slice %min3A_1024 {offsets = [0], sizes = [1], strides = [1]} : vector<16xf32> to vector<1xf32>
      %squeeze3A_1026 = vector.extract %slice3A_1025[0] : f32 from vector<1xf32>
      %add3A_1027 = arith.addf %add3A_968, %squeeze3A_1026 : f32
      %xor3A_1028 = arith.constant 8 : i32
      %xor3A_1029 = vector.broadcast %xor3A_1028 : i32 to vector<16xi32>
      %xor3A_1030 = arith.xori %iota3A_732, %xor3A_1029 : vector<16xi32>
      %lt3A_1031 = arith.constant 0 : i32
      %lt3A_1032 = vector.broadcast %lt3A_1031 : i32 to vector<16xi32>
      %lt3A_1033 = arith.cmpi slt, %xor3A_1030, %lt3A_1032 : vector<16xi32>
      %add3A_1034 = arith.constant 16 : i32
      %add3A_1035 = vector.broadcast %add3A_1034 : i32 to vector<16xi32>
      %add3A_1036 = arith.addi %xor3A_1030, %add3A_1035 : vector<16xi32>
      %select_n3A_1037 = arith.select %lt3A_1033, %add3A_1036, %xor3A_1030 : vector<16xi1>, vector<16xi32>
      %broadcast_in_dim3A_1038 = vector.shape_cast %select_n3A_1037 : vector<16xi32> to vector<16x1xi32>
      %gather3A_1039 = vector.shape_cast %broadcast_in_dim3A_1038 : vector<16x1xi32> to vector<16xi32>
      %gather3A_1040 = tpu.dynamic_gather %scan3A_730#5[%gather3A_1039] in [0] : vector<16xf32>, vector<16xi32> -> vector<16xf32>
      %min3A_1041 = arith.minimumf %scan3A_730#5, %gather3A_1040 : vector<16xf32>
      %xor3A_1042 = arith.constant 4 : i32
      %xor3A_1043 = vector.broadcast %xor3A_1042 : i32 to vector<16xi32>
      %xor3A_1044 = arith.xori %iota3A_732, %xor3A_1043 : vector<16xi32>
      %lt3A_1045 = arith.constant 0 : i32
      %lt3A_1046 = vector.broadcast %lt3A_1045 : i32 to vector<16xi32>
      %lt3A_1047 = arith.cmpi slt, %xor3A_1044, %lt3A_1046 : vector<16xi32>
      %add3A_1048 = arith.constant 16 : i32
      %add3A_1049 = vector.broadcast %add3A_1048 : i32 to vector<16xi32>
      %add3A_1050 = arith.addi %xor3A_1044, %add3A_1049 : vector<16xi32>
      %select_n3A_1051 = arith.select %lt3A_1047, %add3A_1050, %xor3A_1044 : vector<16xi1>, vector<16xi32>
      %broadcast_in_dim3A_1052 = vector.shape_cast %select_n3A_1051 : vector<16xi32> to vector<16x1xi32>
      %gather3A_1053 = vector.shape_cast %broadcast_in_dim3A_1052 : vector<16x1xi32> to vector<16xi32>
      %gather3A_1054 = tpu.dynamic_gather %min3A_1041[%gather3A_1053] in [0] : vector<16xf32>, vector<16xi32> -> vector<16xf32>
      %min3A_1055 = arith.minimumf %min3A_1041, %gather3A_1054 : vector<16xf32>
      %xor3A_1056 = arith.constant 2 : i32
      %xor3A_1057 = vector.broadcast %xor3A_1056 : i32 to vector<16xi32>
      %xor3A_1058 = arith.xori %iota3A_732, %xor3A_1057 : vector<16xi32>
      %lt3A_1059 = arith.constant 0 : i32
      %lt3A_1060 = vector.broadcast %lt3A_1059 : i32 to vector<16xi32>
      %lt3A_1061 = arith.cmpi slt, %xor3A_1058, %lt3A_1060 : vector<16xi32>
      %add3A_1062 = arith.constant 16 : i32
      %add3A_1063 = vector.broadcast %add3A_1062 : i32 to vector<16xi32>
      %add3A_1064 = arith.addi %xor3A_1058, %add3A_1063 : vector<16xi32>
      %select_n3A_1065 = arith.select %lt3A_1061, %add3A_1064, %xor3A_1058 : vector<16xi1>, vector<16xi32>
      %broadcast_in_dim3A_1066 = vector.shape_cast %select_n3A_1065 : vector<16xi32> to vector<16x1xi32>
      %gather3A_1067 = vector.shape_cast %broadcast_in_dim3A_1066 : vector<16x1xi32> to vector<16xi32>
      %gather3A_1068 = tpu.dynamic_gather %min3A_1055[%gather3A_1067] in [0] : vector<16xf32>, vector<16xi32> -> vector<16xf32>
      %min3A_1069 = arith.minimumf %min3A_1055, %gather3A_1068 : vector<16xf32>
      %xor3A_1070 = arith.constant 1 : i32
      %xor3A_1071 = vector.broadcast %xor3A_1070 : i32 to vector<16xi32>
      %xor3A_1072 = arith.xori %iota3A_732, %xor3A_1071 : vector<16xi32>
      %lt3A_1073 = arith.constant 0 : i32
      %lt3A_1074 = vector.broadcast %lt3A_1073 : i32 to vector<16xi32>
      %lt3A_1075 = arith.cmpi slt, %xor3A_1072, %lt3A_1074 : vector<16xi32>
      %add3A_1076 = arith.constant 16 : i32
      %add3A_1077 = vector.broadcast %add3A_1076 : i32 to vector<16xi32>
      %add3A_1078 = arith.addi %xor3A_1072, %add3A_1077 : vector<16xi32>
      %select_n3A_1079 = arith.select %lt3A_1075, %add3A_1078, %xor3A_1072 : vector<16xi1>, vector<16xi32>
      %broadcast_in_dim3A_1080 = vector.shape_cast %select_n3A_1079 : vector<16xi32> to vector<16x1xi32>
      %gather3A_1081 = vector.shape_cast %broadcast_in_dim3A_1080 : vector<16x1xi32> to vector<16xi32>
      %gather3A_1082 = tpu.dynamic_gather %min3A_1069[%gather3A_1081] in [0] : vector<16xf32>, vector<16xi32> -> vector<16xf32>
      %min3A_1083 = arith.minimumf %min3A_1069, %gather3A_1082 : vector<16xf32>
      %slice3A_1084 = vector.extract_strided_slice %min3A_1083 {offsets = [0], sizes = [1], strides = [1]} : vector<16xf32> to vector<1xf32>
      %squeeze3A_1085 = vector.extract %slice3A_1084[0] : f32 from vector<1xf32>
      %add3A_1086 = arith.addf %add3A_1027, %squeeze3A_1085 : f32
      %xor3A_1087 = arith.constant 8 : i32
      %xor3A_1088 = vector.broadcast %xor3A_1087 : i32 to vector<16xi32>
      %xor3A_1089 = arith.xori %iota3A_732, %xor3A_1088 : vector<16xi32>
      %lt3A_1090 = arith.constant 0 : i32
      %lt3A_1091 = vector.broadcast %lt3A_1090 : i32 to vector<16xi32>
      %lt3A_1092 = arith.cmpi slt, %xor3A_1089, %lt3A_1091 : vector<16xi32>
      %add3A_1093 = arith.constant 16 : i32
      %add3A_1094 = vector.broadcast %add3A_1093 : i32 to vector<16xi32>
      %add3A_1095 = arith.addi %xor3A_1089, %add3A_1094 : vector<16xi32>
      %select_n3A_1096 = arith.select %lt3A_1092, %add3A_1095, %xor3A_1089 : vector<16xi1>, vector<16xi32>
      %broadcast_in_dim3A_1097 = vector.shape_cast %select_n3A_1096 : vector<16xi32> to vector<16x1xi32>
      %gather3A_1098 = vector.shape_cast %broadcast_in_dim3A_1097 : vector<16x1xi32> to vector<16xi32>
      %gather3A_1099 = tpu.dynamic_gather %scan3A_730#6[%gather3A_1098] in [0] : vector<16xf32>, vector<16xi32> -> vector<16xf32>
      %min3A_1100 = arith.minimumf %scan3A_730#6, %gather3A_1099 : vector<16xf32>
      %xor3A_1101 = arith.constant 4 : i32
      %xor3A_1102 = vector.broadcast %xor3A_1101 : i32 to vector<16xi32>
      %xor3A_1103 = arith.xori %iota3A_732, %xor3A_1102 : vector<16xi32>
      %lt3A_1104 = arith.constant 0 : i32
      %lt3A_1105 = vector.broadcast %lt3A_1104 : i32 to vector<16xi32>
      %lt3A_1106 = arith.cmpi slt, %xor3A_1103, %lt3A_1105 : vector<16xi32>
      %add3A_1107 = arith.constant 16 : i32
      %add3A_1108 = vector.broadcast %add3A_1107 : i32 to vector<16xi32>
      %add3A_1109 = arith.addi %xor3A_1103, %add3A_1108 : vector<16xi32>
      %select_n3A_1110 = arith.select %lt3A_1106, %add3A_1109, %xor3A_1103 : vector<16xi1>, vector<16xi32>
      %broadcast_in_dim3A_1111 = vector.shape_cast %select_n3A_1110 : vector<16xi32> to vector<16x1xi32>
      %gather3A_1112 = vector.shape_cast %broadcast_in_dim3A_1111 : vector<16x1xi32> to vector<16xi32>
      %gather3A_1113 = tpu.dynamic_gather %min3A_1100[%gather3A_1112] in [0] : vector<16xf32>, vector<16xi32> -> vector<16xf32>
      %min3A_1114 = arith.minimumf %min3A_1100, %gather3A_1113 : vector<16xf32>
      %xor3A_1115 = arith.constant 2 : i32
      %xor3A_1116 = vector.broadcast %xor3A_1115 : i32 to vector<16xi32>
      %xor3A_1117 = arith.xori %iota3A_732, %xor3A_1116 : vector<16xi32>
      %lt3A_1118 = arith.constant 0 : i32
      %lt3A_1119 = vector.broadcast %lt3A_1118 : i32 to vector<16xi32>
      %lt3A_1120 = arith.cmpi slt, %xor3A_1117, %lt3A_1119 : vector<16xi32>
      %add3A_1121 = arith.constant 16 : i32
      %add3A_1122 = vector.broadcast %add3A_1121 : i32 to vector<16xi32>
      %add3A_1123 = arith.addi %xor3A_1117, %add3A_1122 : vector<16xi32>
      %select_n3A_1124 = arith.select %lt3A_1120, %add3A_1123, %xor3A_1117 : vector<16xi1>, vector<16xi32>
      %broadcast_in_dim3A_1125 = vector.shape_cast %select_n3A_1124 : vector<16xi32> to vector<16x1xi32>
      %gather3A_1126 = vector.shape_cast %broadcast_in_dim3A_1125 : vector<16x1xi32> to vector<16xi32>
      %gather3A_1127 = tpu.dynamic_gather %min3A_1114[%gather3A_1126] in [0] : vector<16xf32>, vector<16xi32> -> vector<16xf32>
      %min3A_1128 = arith.minimumf %min3A_1114, %gather3A_1127 : vector<16xf32>
      %xor3A_1129 = arith.constant 1 : i32
      %xor3A_1130 = vector.broadcast %xor3A_1129 : i32 to vector<16xi32>
      %xor3A_1131 = arith.xori %iota3A_732, %xor3A_1130 : vector<16xi32>
      %lt3A_1132 = arith.constant 0 : i32
      %lt3A_1133 = vector.broadcast %lt3A_1132 : i32 to vector<16xi32>
      %lt3A_1134 = arith.cmpi slt, %xor3A_1131, %lt3A_1133 : vector<16xi32>
      %add3A_1135 = arith.constant 16 : i32
      %add3A_1136 = vector.broadcast %add3A_1135 : i32 to vector<16xi32>
      %add3A_1137 = arith.addi %xor3A_1131, %add3A_1136 : vector<16xi32>
      %select_n3A_1138 = arith.select %lt3A_1134, %add3A_1137, %xor3A_1131 : vector<16xi1>, vector<16xi32>
      %broadcast_in_dim3A_1139 = vector.shape_cast %select_n3A_1138 : vector<16xi32> to vector<16x1xi32>
      %gather3A_1140 = vector.shape_cast %broadcast_in_dim3A_1139 : vector<16x1xi32> to vector<16xi32>
      %gather3A_1141 = tpu.dynamic_gather %min3A_1128[%gather3A_1140] in [0] : vector<16xf32>, vector<16xi32> -> vector<16xf32>
      %min3A_1142 = arith.minimumf %min3A_1128, %gather3A_1141 : vector<16xf32>
      %slice3A_1143 = vector.extract_strided_slice %min3A_1142 {offsets = [0], sizes = [1], strides = [1]} : vector<16xf32> to vector<1xf32>
      %squeeze3A_1144 = vector.extract %slice3A_1143[0] : f32 from vector<1xf32>
      %add3A_1145 = arith.addf %add3A_1086, %squeeze3A_1144 : f32
      %xor3A_1146 = arith.constant 8 : i32
      %xor3A_1147 = vector.broadcast %xor3A_1146 : i32 to vector<16xi32>
      %xor3A_1148 = arith.xori %iota3A_732, %xor3A_1147 : vector<16xi32>
      %lt3A_1149 = arith.constant 0 : i32
      %lt3A_1150 = vector.broadcast %lt3A_1149 : i32 to vector<16xi32>
      %lt3A_1151 = arith.cmpi slt, %xor3A_1148, %lt3A_1150 : vector<16xi32>
      %add3A_1152 = arith.constant 16 : i32
      %add3A_1153 = vector.broadcast %add3A_1152 : i32 to vector<16xi32>
      %add3A_1154 = arith.addi %xor3A_1148, %add3A_1153 : vector<16xi32>
      %select_n3A_1155 = arith.select %lt3A_1151, %add3A_1154, %xor3A_1148 : vector<16xi1>, vector<16xi32>
      %broadcast_in_dim3A_1156 = vector.shape_cast %select_n3A_1155 : vector<16xi32> to vector<16x1xi32>
      %gather3A_1157 = vector.shape_cast %broadcast_in_dim3A_1156 : vector<16x1xi32> to vector<16xi32>
      %gather3A_1158 = tpu.dynamic_gather %scan3A_730#7[%gather3A_1157] in [0] : vector<16xf32>, vector<16xi32> -> vector<16xf32>
      %min3A_1159 = arith.minimumf %scan3A_730#7, %gather3A_1158 : vector<16xf32>
      %xor3A_1160 = arith.constant 4 : i32
      %xor3A_1161 = vector.broadcast %xor3A_1160 : i32 to vector<16xi32>
      %xor3A_1162 = arith.xori %iota3A_732, %xor3A_1161 : vector<16xi32>
      %lt3A_1163 = arith.constant 0 : i32
      %lt3A_1164 = vector.broadcast %lt3A_1163 : i32 to vector<16xi32>
      %lt3A_1165 = arith.cmpi slt, %xor3A_1162, %lt3A_1164 : vector<16xi32>
      %add3A_1166 = arith.constant 16 : i32
      %add3A_1167 = vector.broadcast %add3A_1166 : i32 to vector<16xi32>
      %add3A_1168 = arith.addi %xor3A_1162, %add3A_1167 : vector<16xi32>
      %select_n3A_1169 = arith.select %lt3A_1165, %add3A_1168, %xor3A_1162 : vector<16xi1>, vector<16xi32>
      %broadcast_in_dim3A_1170 = vector.shape_cast %select_n3A_1169 : vector<16xi32> to vector<16x1xi32>
      %gather3A_1171 = vector.shape_cast %broadcast_in_dim3A_1170 : vector<16x1xi32> to vector<16xi32>
      %gather3A_1172 = tpu.dynamic_gather %min3A_1159[%gather3A_1171] in [0] : vector<16xf32>, vector<16xi32> -> vector<16xf32>
      %min3A_1173 = arith.minimumf %min3A_1159, %gather3A_1172 : vector<16xf32>
      %xor3A_1174 = arith.constant 2 : i32
      %xor3A_1175 = vector.broadcast %xor3A_1174 : i32 to vector<16xi32>
      %xor3A_1176 = arith.xori %iota3A_732, %xor3A_1175 : vector<16xi32>
      %lt3A_1177 = arith.constant 0 : i32
      %lt3A_1178 = vector.broadcast %lt3A_1177 : i32 to vector<16xi32>
      %lt3A_1179 = arith.cmpi slt, %xor3A_1176, %lt3A_1178 : vector<16xi32>
      %add3A_1180 = arith.constant 16 : i32
      %add3A_1181 = vector.broadcast %add3A_1180 : i32 to vector<16xi32>
      %add3A_1182 = arith.addi %xor3A_1176, %add3A_1181 : vector<16xi32>
      %select_n3A_1183 = arith.select %lt3A_1179, %add3A_1182, %xor3A_1176 : vector<16xi1>, vector<16xi32>
      %broadcast_in_dim3A_1184 = vector.shape_cast %select_n3A_1183 : vector<16xi32> to vector<16x1xi32>
      %gather3A_1185 = vector.shape_cast %broadcast_in_dim3A_1184 : vector<16x1xi32> to vector<16xi32>
      %gather3A_1186 = tpu.dynamic_gather %min3A_1173[%gather3A_1185] in [0] : vector<16xf32>, vector<16xi32> -> vector<16xf32>
      %min3A_1187 = arith.minimumf %min3A_1173, %gather3A_1186 : vector<16xf32>
      %xor3A_1188 = arith.constant 1 : i32
      %xor3A_1189 = vector.broadcast %xor3A_1188 : i32 to vector<16xi32>
      %xor3A_1190 = arith.xori %iota3A_732, %xor3A_1189 : vector<16xi32>
      %lt3A_1191 = arith.constant 0 : i32
      %lt3A_1192 = vector.broadcast %lt3A_1191 : i32 to vector<16xi32>
      %lt3A_1193 = arith.cmpi slt, %xor3A_1190, %lt3A_1192 : vector<16xi32>
      %add3A_1194 = arith.constant 16 : i32
      %add3A_1195 = vector.broadcast %add3A_1194 : i32 to vector<16xi32>
      %add3A_1196 = arith.addi %xor3A_1190, %add3A_1195 : vector<16xi32>
      %select_n3A_1197 = arith.select %lt3A_1193, %add3A_1196, %xor3A_1190 : vector<16xi1>, vector<16xi32>
      %broadcast_in_dim3A_1198 = vector.shape_cast %select_n3A_1197 : vector<16xi32> to vector<16x1xi32>
      %gather3A_1199 = vector.shape_cast %broadcast_in_dim3A_1198 : vector<16x1xi32> to vector<16xi32>
      %gather3A_1200 = tpu.dynamic_gather %min3A_1187[%gather3A_1199] in [0] : vector<16xf32>, vector<16xi32> -> vector<16xf32>
      %min3A_1201 = arith.minimumf %min3A_1187, %gather3A_1200 : vector<16xf32>
      %slice3A_1202 = vector.extract_strided_slice %min3A_1201 {offsets = [0], sizes = [1], strides = [1]} : vector<16xf32> to vector<1xf32>
      %squeeze3A_1203 = vector.extract %slice3A_1202[0] : f32 from vector<1xf32>
      %add3A_1204 = arith.addf %add3A_1145, %squeeze3A_1203 : f32
      scf.yield %add3A_1204 : f32
    }
    %scan3A_54 = arith.constant 12 : i32
    %mul3A_55 = arith.constant 2 : i32
    %mul3A_56 = arith.muli %arg1, %mul3A_55 : i32
    %add3A_57 = arith.addi %mul3A_56, %arg0 : i32
    %broadcast_in_dim3A = vector.broadcast %scan3A_53 : f32 to vector<16xf32>
    %swap3A = arith.constant 0 : index
    %swap3A_58 = tpu.vector_load %arg12[%swap3A] {strides = array<i32>} : memref<16xf32, #tpu.memory_space<vmem>>, vector<16xf32>,
    %swap3A_59 = vector.shape_cast %swap3A_58 : vector<16xf32> to vector<16xf32>
    %swap3A_60 = vector.shape_cast %broadcast_in_dim3A : vector<16xf32> to vector<16xf32>
    tpu.vector_store %arg12[%swap3A], %swap3A_60 {strides = array<i32>} : memref<16xf32, #tpu.memory_space<vmem>>, vector<16xf32>,
    %mul3A_61 = arith.constant 16 : i32
    %mul3A_62 = arith.muli %add3A_57, %mul3A_61 : i32
    "tpu.region"() ({
      %run_scoped3A = tpu.sem_alloc : memref<!tpu.dma_semaphore, #tpu.memory_space<semaphore_mem>>
      %dma_start3A = tpu.memref_slice %arg4[%mul3A_62] : memref<66048xf32, #tpu.memory_space<hbm>> -> memref<16xf32, #tpu.memory_space<hbm>>
      %dma_start3A_67 = tpu.memref_slice %arg4[%mul3A_62] : memref<66048xf32, #tpu.memory_space<hbm>> -> memref<16xf32, #tpu.memory_space<hbm>>
      tpu.enqueue_dma source(%arg12 : memref<16xf32, #tpu.memory_space<vmem>>) target(%dma_start3A_67 : memref<16xf32, #tpu.memory_space<hbm>>) target_semaphore(%run_scoped3A : memref<!tpu.dma_semaphore, #tpu.memory_space<semaphore_mem>>)
      %dma_wait3A = tpu.memref_slice %arg4[%mul3A_62] : memref<66048xf32, #tpu.memory_space<hbm>> -> memref<16xf32, #tpu.memory_space<hbm>>
      %dma_wait3A_68 = tpu.memref_slice %arg4[%mul3A_62] : memref<66048xf32, #tpu.memory_space<hbm>> -> memref<16xf32, #tpu.memory_space<hbm>>
      tpu.wait_dma2 semaphore(%run_scoped3A : memref<!tpu.dma_semaphore, #tpu.memory_space<semaphore_mem>>) src(%arg12 : memref<16xf32, #tpu.memory_space<vmem>>) dst(%dma_wait3A_68 : memref<16xf32, #tpu.memory_space<hbm>>)
      tpu.yield
    }) : () -> ()
    %mul3A_63 = arith.constant 2048 : i32
    %mul3A_64 = arith.muli %add3A_57, %mul3A_63 : i32
    %add3A_65 = arith.constant 512 : i32
    %add3A_66 = arith.addi %add3A_65, %mul3A_64 : i32
    "tpu.region"() ({
      %run_scoped3A = tpu.sem_alloc : memref<!tpu.dma_semaphore, #tpu.memory_space<semaphore_mem>>
      %dma_start3A = tpu.memref_slice %arg4[%add3A_66] : memref<66048xf32, #tpu.memory_space<hbm>> -> memref<2048xf32, #tpu.memory_space<hbm>>
      %dma_start3A_67 = tpu.memref_slice %arg4[%add3A_66] : memref<66048xf32, #tpu.memory_space<hbm>> -> memref<2048xf32, #tpu.memory_space<hbm>>
      tpu.enqueue_dma source(%arg11 : memref<2048xf32, #tpu.memory_space<vmem>>) target(%dma_start3A_67 : memref<2048xf32, #tpu.memory_space<hbm>>) target_semaphore(%run_scoped3A : memref<!tpu.dma_semaphore, #tpu.memory_space<semaphore_mem>>)
      %dma_wait3A = tpu.memref_slice %arg4[%add3A_66] : memref<66048xf32, #tpu.memory_space<hbm>> -> memref<2048xf32, #tpu.memory_space<hbm>>
      %dma_wait3A_68 = tpu.memref_slice %arg4[%add3A_66] : memref<66048xf32, #tpu.memory_space<hbm>> -> memref<2048xf32, #tpu.memory_space<hbm>>
      tpu.wait_dma2 semaphore(%run_scoped3A : memref<!tpu.dma_semaphore, #tpu.memory_space<semaphore_mem>>) src(%arg11 : memref<2048xf32, #tpu.memory_space<vmem>>) dst(%dma_wait3A_68 : memref<2048xf32, #tpu.memory_space<hbm>>)
      tpu.yield
    }) : () -> ()
    return
  }
}

module attributes {stable_mosaic.version = 14 : i64} {
  func.func @_tc_block(%arg0: i32, %arg1: memref<1x1664x3xbf16, #tpu.memory_space<vmem>>, %arg2: memref<1x3x2048xbf16, #tpu.memory_space<vmem>>, %arg3: memref<1x1xf32, #tpu.memory_space<vmem>>, %arg4: memref<1x1x2048xf32, #tpu.memory_space<vmem>>) attributes {dimension_semantics = [#tpu.dimension_semantics<arbitrary>], iteration_bounds = array<i64: 16>, scalar_prefetch = 0 : i64, scratch_operands = 0 : i64, tpu.core_type = #tpu.core_type<tc>, window_params = [{transform_indices = @transform_0, window_bounds = array<i64: 1, 1664, 3>}, {transform_indices = @transform_1, window_bounds = array<i64: 1, 3, 2048>}, {pipeline_mode = #tpu.pipeline_mode<synchronous>, transform_indices = @transform_2, window_bounds = array<i64: 1, 1>}, {transform_indices = @transform_3, window_bounds = array<i64: 1, 1, 2048>}]} {
    %get3A = arith.constant 0 : index
    %get3A_0 = arith.constant 0 : index
    %get3A_1 = arith.constant 0 : index
    %get3A_2 = vector.load %arg1[%get3A, %get3A_0, %get3A_1] : memref<1x1664x3xbf16, #tpu.memory_space<vmem>>, vector<1x1664x3xbf16>
    %get3A_3 = vector.shape_cast %get3A_2 : vector<1x1664x3xbf16> to vector<1664x3xbf16>
    %get3A_4 = arith.constant 0 : index
    %get3A_5 = arith.constant 0 : index
    %get3A_6 = arith.constant 0 : index
    %get3A_7 = vector.load %arg2[%get3A_4, %get3A_5, %get3A_6] : memref<1x3x2048xbf16, #tpu.memory_space<vmem>>, vector<1x3x2048xbf16>
    %get3A_8 = vector.shape_cast %get3A_7 : vector<1x3x2048xbf16> to vector<3x2048xbf16>
    %slice3A = vector.extract_strided_slice %get3A_3 {offsets = [0, 0], sizes = [1664, 1], strides = [1, 1]} : vector<1664x3xbf16> to vector<1664x1xbf16>
    %slice3A_9 = vector.extract_strided_slice %get3A_8 {offsets = [0, 0], sizes = [1, 2048], strides = [1, 1]} : vector<3x2048xbf16> to vector<1x2048xbf16>
    %sub3A = vector.broadcast %slice3A : vector<1664x1xbf16> to vector<1664x2048xbf16>
    %sub3A_10 = vector.broadcast %slice3A_9 : vector<1x2048xbf16> to vector<1664x2048xbf16>
    %sub3A_11 = arith.subf %sub3A, %sub3A_10 : vector<1664x2048xbf16>
    %mul3A = arith.mulf %sub3A_11, %sub3A_11 : vector<1664x2048xbf16>
    %slice3A_12 = vector.extract_strided_slice %get3A_3 {offsets = [0, 1], sizes = [1664, 1], strides = [1, 1]} : vector<1664x3xbf16> to vector<1664x1xbf16>
    %slice3A_13 = vector.extract_strided_slice %get3A_8 {offsets = [1, 0], sizes = [1, 2048], strides = [1, 1]} : vector<3x2048xbf16> to vector<1x2048xbf16>
    %sub3A_14 = vector.broadcast %slice3A_12 : vector<1664x1xbf16> to vector<1664x2048xbf16>
    %sub3A_15 = vector.broadcast %slice3A_13 : vector<1x2048xbf16> to vector<1664x2048xbf16>
    %sub3A_16 = arith.subf %sub3A_14, %sub3A_15 : vector<1664x2048xbf16>
    %mul3A_17 = arith.mulf %sub3A_16, %sub3A_16 : vector<1664x2048xbf16>
    %add3A = arith.addf %mul3A, %mul3A_17 : vector<1664x2048xbf16>
    %slice3A_18 = vector.extract_strided_slice %get3A_3 {offsets = [0, 2], sizes = [1664, 1], strides = [1, 1]} : vector<1664x3xbf16> to vector<1664x1xbf16>
    %slice3A_19 = vector.extract_strided_slice %get3A_8 {offsets = [2, 0], sizes = [1, 2048], strides = [1, 1]} : vector<3x2048xbf16> to vector<1x2048xbf16>
    %sub3A_20 = vector.broadcast %slice3A_18 : vector<1664x1xbf16> to vector<1664x2048xbf16>
    %sub3A_21 = vector.broadcast %slice3A_19 : vector<1x2048xbf16> to vector<1664x2048xbf16>
    %sub3A_22 = arith.subf %sub3A_20, %sub3A_21 : vector<1664x2048xbf16>
    %mul3A_23 = arith.mulf %sub3A_22, %sub3A_22 : vector<1664x2048xbf16>
    %add3A_24 = arith.addf %add3A, %mul3A_23 : vector<1664x2048xbf16>
    %reduce_min3A = arith.constant dense<0x7F80> : vector<1664xbf16>
    %reduce_min3A_25 = vector.multi_reduction <minimumf>, %add3A_24, %reduce_min3A [1] : vector<1664x2048xbf16> to vector<1664xbf16>
    %convert_element_type3A = arith.extf %reduce_min3A_25 : vector<1664xbf16> to vector<1664xf32>
    %reduce_min3A_26 = arith.constant dense<0x7F80> : vector<2048xbf16>
    %reduce_min3A_27 = vector.multi_reduction <minimumf>, %add3A_24, %reduce_min3A_26 [0] : vector<1664x2048xbf16> to vector<2048xbf16>
    %convert_element_type3A_28 = arith.extf %reduce_min3A_27 : vector<2048xbf16> to vector<2048xf32>
    %broadcast_in_dim3A = vector.shape_cast %convert_element_type3A_28 : vector<2048xf32> to vector<1x2048xf32>
    %swap3A = arith.constant 0 : index
    %swap3A_29 = arith.constant 0 : index
    %swap3A_30 = arith.constant 0 : index
    %swap3A_31 = vector.load %arg4[%swap3A, %swap3A_29, %swap3A_30] : memref<1x1x2048xf32, #tpu.memory_space<vmem>>, vector<1x1x2048xf32>
    %swap3A_32 = vector.shape_cast %swap3A_31 : vector<1x1x2048xf32> to vector<1x2048xf32>
    %swap3A_33 = vector.shape_cast %broadcast_in_dim3A : vector<1x2048xf32> to vector<1x1x2048xf32>
    tpu.vector_store %arg4[%swap3A, %swap3A_29, %swap3A_30], %swap3A_33 {strides = array<i32>} : memref<1x1x2048xf32, #tpu.memory_space<vmem>>, vector<1x1x2048xf32>,
    %reduce_sum3A = vector.shape_cast %convert_element_type3A : vector<1664xf32> to vector<1x1664xf32>
    %reduce_sum3A_34 = arith.constant dense<0.000000e+00> : vector<1xf32>
    %reduce_sum3A_35 = vector.multi_reduction <add>, %reduce_sum3A, %reduce_sum3A_34 [1] : vector<1x1664xf32> to vector<1xf32>
    %reduce_sum3A_36 = vector.shape_cast %reduce_sum3A_35 : vector<1xf32> to vector<1x1xf32>
    %reduce_sum3A_37 = vector.extract %reduce_sum3A_36[0, 0] : f32 from vector<1x1xf32>
    %eq3A = arith.constant 0 : i32
    %eq3A_38 = arith.cmpi eq, %arg0, %eq3A : i32
    %convert_element_type3A_39 = arith.extui %eq3A_38 : i1 to i32
    %cond3A = arith.constant 0 : i32
    %cond3A_40 = arith.cmpi ne, %convert_element_type3A_39, %cond3A : i32
    scf.if %cond3A_40 {
      %broadcast_in_dim3A_45 = vector.broadcast %reduce_sum3A_37 : f32 to vector<1x1xf32>
      %swap3A_46 = arith.constant 0 : index
      %swap3A_47 = arith.constant 0 : index
      %swap3A_48 = vector.load %arg3[%swap3A_46, %swap3A_47] : memref<1x1xf32, #tpu.memory_space<vmem>>, vector<1x1xf32>
      tpu.vector_store %arg3[%swap3A_46, %swap3A_47], %broadcast_in_dim3A_45 {strides = array<i32>} : memref<1x1xf32, #tpu.memory_space<vmem>>, vector<1x1xf32>,
    } else {
    }
    %ne3A = arith.constant 0 : i32
    %ne3A_41 = arith.cmpi ne, %arg0, %ne3A : i32
    %convert_element_type3A_42 = arith.extui %ne3A_41 : i1 to i32
    %cond3A_43 = arith.constant 0 : i32
    %cond3A_44 = arith.cmpi ne, %convert_element_type3A_42, %cond3A_43 : i32
    scf.if %cond3A_44 {
      %get3A_45 = arith.constant 0 : index
      %get3A_46 = arith.constant 0 : index
      %get3A_47 = vector.load %arg3[%get3A_45, %get3A_46] : memref<1x1xf32, #tpu.memory_space<vmem>>, vector<1x1xf32>
      %broadcast_in_dim3A_48 = vector.broadcast %reduce_sum3A_37 : f32 to vector<1x1xf32>
      %add3A_49 = arith.addf %get3A_47, %broadcast_in_dim3A_48 : vector<1x1xf32>
      %swap3A_50 = arith.constant 0 : index
      %swap3A_51 = arith.constant 0 : index
      %swap3A_52 = vector.load %arg3[%swap3A_50, %swap3A_51] : memref<1x1xf32, #tpu.memory_space<vmem>>, vector<1x1xf32>
      tpu.vector_store %arg3[%swap3A_50, %swap3A_51], %add3A_49 {strides = array<i32>} : memref<1x1xf32, #tpu.memory_space<vmem>>, vector<1x1xf32>,
    } else {
    }
    return
  }
  func.func @transform_0(%arg0: i32) -> (i32, i32, i32) {
    %c0_i32 = arith.constant 0 : i32
    %c0_i32_0 = arith.constant 0 : i32
    %c0_i32_1 = arith.constant 0 : i32
    return %arg0, %c0_i32, %c0_i32_0 : i32, i32, i32
  }
  func.func @transform_1(%arg0: i32) -> (i32, i32, i32) {
    %c0_i32 = arith.constant 0 : i32
    %c0_i32_0 = arith.constant 0 : i32
    %c0_i32_1 = arith.constant 0 : i32
    return %arg0, %c0_i32, %c0_i32_0 : i32, i32, i32
  }
  func.func @transform_2(%arg0: i32) -> (i32, i32) {
    %c0_i32 = arith.constant 0 : i32
    %c0_i32_0 = arith.constant 0 : i32
    %c0_i32_1 = arith.constant 0 : i32
    return %c0_i32, %c0_i32_0 : i32, i32
  }
  func.func @transform_3(%arg0: i32) -> (i32, i32, i32) {
    %c0_i32 = arith.constant 0 : i32
    %c0_i32_0 = arith.constant 0 : i32
    %c0_i32_1 = arith.constant 0 : i32
    return %arg0, %c0_i32, %c0_i32_0 : i32, i32, i32
  }
}

</mosaic_0001>

<sc_bundles>
// kernel: kernel.4.cloned.1.call-start
scs
__scs_entry_jumppad:
0x0: {  	(pc) =	sbr.rel $0x88, $3  }
0x1: {  	(tag) =	ssettag $0x0;
	lr =	simm.s32 $0x1  }
0x2: {  	[smem:$0x3F9F] =	sst lr;
	_ =	strace $0xD0000000  }
0x3: {  	_ = 	snop  }
0x4: {  	_ = 	snop  }
0x5: {  	_ = 	snop  }
0x6: {  	_ = 	snop  }
0x7: {  	_ = 	snop  }
__scs_overlays_trampoline_lowered:
0x8: {  	[smem:$0x3FAE] =	sst s0  }
0x9: {  	[smem:$0x3FAF] =	sst s1  }
0xa: {  	[smem:$0x3FB0] =	sst s2  }
0xb: {  	[smem:$0x3FB1] =	sst s3  }
0xc: {  	[smem:$0x3FB2] =	sst s4  }
0xd: {  	[smem:$0x3FB3] =	sst s5  }
0xe: {  	[smem:$0x3FB4] =	sst s6  }
0xf: {  	[smem:$0x3FB5] =	sst s7  }
0x10: {  	[smem:$0x3FB6] =	sst s8  }
0x11: {  	[smem:$0x3FB7] =	sst s9;
	s0 =	simm.s32 @!p0 $0x0  }
0x12: {  	s1 =	sld [smem:$0x3F9D];
	s0 =	simm.s32 @p0 $0x1  }
0x13: {  	[smem:$0x3FB8] =	sst s0;
	s0 =	simm.s32 @!p1 $0x0  }
0x14: {  	s2 =	sld [smem:$0x3F9C];
	s0 =	simm.s32 @p1 $0x1  }
0x15: {  	[smem:$0x3FB9] =	sst s0;
	s0 =	simm.s32 @!p2 $0x0  }
0x16: {  	s3 =	sld [smem:$0x3FDB];
	s0 =	simm.s32 @p2 $0x1  }
0x17: {  	s4 =	simm.s32 $0x1BF5;
	[smem:$0x3FBB] =	sst s0  }
0x18: {  	s0 =	sld [smem:$0x3F9E];
	_ =	swait.ge [sflag:s4], $0x0  }
0x19: {  	s7 =	sld [smem:$0x3F9F]  }
0x1a: {  	s8 =	sadd.s32 $0xFFFFE003, lr  }
0x1b: {  	s9 =	sadd.s32 $0xFFFFFEF7, lr;
	s5 =	simm.s32 $0xFFFFFFFF;
	p2 =	slt.u32 s8, $0xFFFFF086  }
0x1c: {  	p1 =	slt.u32 s9, $0xF7A;
	s5 =	simm.s32 @!p2 $0x0  }
0x1d: {  	s5 =	simm.s32 @p1 $0x1;
	p0 =	seq.s32 s7, s2  }
0x1e: {  	s7 =	smul.u32 @!p0 $0xF7A, s2;
	p2 =	seq.s32 @!p0 s5, $0x0  }
0x1f: {  	s9 =	smul.u32 $0xF7A, s1;
	s8 =	simm.s32 @!p0 $0x1BF5;
	p2 =	por !p2, p0  }
0x20: {  	[sflag:s8] =	ssyncset.s32 @!p0 $0xFFFFF086;
	s6 =	sadd.s32 @!p0 s3, s7;
	s7 =	simm.s32 @!p0 $0x108  }
0x21: {  	s3 =	sadd.s32 s3, s9;
	s6 =	sadd.s32 @!p0 $0x88, s6;
	s7 =	simm.s32 @p2 $0x1082  }
0x22: {  	[simem:s7], [sflag:s8] =	dma.local @!p0 [hbm:s6], $0xF7A  }
0x23: {  	s9 =	sor.u32 $0xD0000000, s2;
	s6 =	simm.s32 $0x108;
	_ =	swait.ge @!p0 [sflag:s8], $0x0  }
0x24: {  	s3 =	sadd.s32 $0x88, s3;
	s6 =	simm.s32 @!p1 $0x1082;
	[sflag:s4] =	ssyncset.s32 $0xFFFFF086  }
0x25: {  	[simem:s6], [sflag:s4] =	dma.local [hbm:s3], $0xF7A  }
0x26: {  	[smem:$0x3F9F] =	sst s1;
	(tag) =	ssettag s2;
	_ =	strace s9  }
0x27: {  	s1 =	sld [smem:$0x3FAF]  }
0x28: {  	s2 =	sld [smem:$0x3FB0]  }
0x29: {  	s4 =	sld [smem:$0x3FB2]  }
0x2a: {  	p0 =	seq.s32 s5, $0x0;
	s5 =	sld [smem:$0x3FB3]  }
0x2b: {  	s6 =	sld [smem:$0x3FB4]  }
0x2c: {  	s7 =	sld [smem:$0x3FB5]  }
0x2d: {  	s3 =	simm.s32 $0x108;
	s8 =	sld [smem:$0x3FB6]  }
0x2e: {  	s3 =	simm.s32 @!p0 $0x1082;
	s9 =	sld [smem:$0x3FB7]  }
0x2f: {  	lr =	sadd.s32 s0, s3;
	s0 =	sld [smem:$0x3FAE]  }
0x30: {  	s3 =	sld [smem:$0x3FB1]  }
0x31: {  	[smem:$0x3FBA] =	sst s10  }
0x32: {  	s10 =	sld [smem:$0x3FB8];
	_ =	sdelay $0x3  }
0x33: {  	p0 =	seq.s32 s10, $0x1;
	s10 =	sld [smem:$0x3FBA];
	_ =	sdelay $0x3  }
0x34: {  	[smem:$0x3FBA] =	sst s10  }
0x35: {  	s10 =	sld [smem:$0x3FB9];
	_ =	sdelay $0x3  }
0x36: {  	p1 =	seq.s32 s10, $0x1;
	s10 =	sld [smem:$0x3FBA];
	_ =	sdelay $0x3  }
0x37: {  	[smem:$0x3FBA] =	sst s10  }
0x38: {  	s10 =	sld [smem:$0x3FBB]  }
0x39: {  	_ = 	snop;
	(pc) =	sbr.ind lr, $3  }
0x3a: {  	_ = 	snop  }
0x3b: {  	_ = 	snop  }
0x3c: {  	p2 =	seq.s32 s10, $0x1;
	s10 =	sld [smem:$0x3FBA]  }
0x3d: {  	_ =	shalt  }
0x3e: {  	_ =	shalt  }
0x3f: {  	_ =	shalt  }
0x40: {  	_ =	shalt  }
0x41: {  	_ =	shalt  }
0x42: {  	_ =	shalt  }
0x43: {  	_ =	shalt  }
0x44: {  	_ =	shalt  }
0x45: {  	_ =	shalt  }
0x46: {  	_ =	shalt  }
0x47: {  	_ =	shalt  }
0x48: {  	_ =	shalt  }
0x49: {  	_ =	shalt  }
0x4a: {  	_ =	shalt  }
0x4b: {  	_ =	shalt  }
0x4c: {  	_ =	shalt  }
0x4d: {  	_ =	shalt  }
0x4e: {  	_ =	shalt  }
0x4f: {  	_ =	shalt  }
0x50: {  	_ =	shalt  }
0x51: {  	_ =	shalt  }
0x52: {  	_ =	shalt  }
0x53: {  	_ =	shalt  }
0x54: {  	_ =	shalt  }
0x55: {  	_ =	shalt  }
0x56: {  	_ =	shalt  }
0x57: {  	_ =	shalt  }
0x58: {  	_ =	shalt  }
0x59: {  	_ =	shalt  }
0x5a: {  	_ =	shalt  }
0x5b: {  	_ =	shalt  }
0x5c: {  	_ =	shalt  }
0x5d: {  	_ =	shalt  }
0x5e: {  	_ =	shalt  }
0x5f: {  	_ =	shalt  }
0x60: {  	_ =	shalt  }
0x61: {  	_ =	shalt  }
0x62: {  	_ =	shalt  }
0x63: {  	_ =	shalt  }
0x64: {  	_ =	shalt  }
0x65: {  	_ =	shalt  }
0x66: {  	_ =	shalt  }
0x67: {  	_ =	shalt  }
0x68: {  	_ =	shalt  }
0x69: {  	_ =	shalt  }
0x6a: {  	_ =	shalt  }
0x6b: {  	_ =	shalt  }
0x6c: {  	_ =	shalt  }
0x6d: {  	_ =	shalt  }
0x6e: {  	_ =	shalt  }
0x6f: {  	_ =	shalt  }
0x70: {  	_ =	shalt  }
0x71: {  	_ =	shalt  }
0x72: {  	_ =	shalt  }
0x73: {  	_ =	shalt  }
0x74: {  	_ =	shalt  }
0x75: {  	_ =	shalt  }
0x76: {  	_ =	shalt  }
0x77: {  	_ =	shalt  }
0x78: {  	_ =	shalt  }
0x79: {  	_ =	shalt  }
0x7a: {  	_ =	shalt  }
0x7b: {  	_ =	shalt  }
0x7c: {  	_ =	shalt  }
0x7d: {  	_ =	shalt  }
0x7e: {  	_ =	shalt  }
0x7f: {  	_ =	shalt  }
0x80: {  	_ =	shalt  }
0x81: {  	_ =	shalt  }
0x82: {  	_ =	shalt  }
0x83: {  	_ =	shalt  }
0x84: {  	_ =	shalt  }
0x85: {  	_ =	shalt  }
0x86: {  	_ =	shalt  }
0x87: {  	_ =	shalt  }
.Lfunc_end0:
.L_simem_size_0:
called_computation_lowered:
.L_overlay_start_0:
0x88: {  	s2 =	sld [smem:$0x3FD9]  }
0x89: {  	s3 =	sld [smem:$0x3FFE];
	_ =	sdelay $0x1  }
0x8a: {  	s1 =	srdreg.scid  }
0x8b: {  	s0 =	sand.u32 $0x1, s1  }
0x8c: {  	s16 =	sshll.u32 s0, $0xA;
	s2 =	sadd.s32 s3, s2  }
0x8d: {  	s2 =	sadd.s32 s2, s16  }
0x8e: {  	[smem:$0x3FC6] =	sst s2  }
0x8f: {  	_ = 	snop  }
0x90: {  	(tm) =	ssettm $0x1  }
0x91: {  	s17 =	sld [smem:$0x3FFB];
	_ =	sdelay $0x3  }
0x92: {  	_ =	strace s17  }
0x93: {  	s2 =	sld [smem:$0x3FFC];
	_ =	sdelay $0x3  }
0x94: {  	_ =	strace s2  }
0x95: {  	s2 =	sld [smem:$0x3FFD];
	_ =	sdelay $0x3  }
0x96: {  	_ =	strace s2  }
0x97: {  	_ =	strace $0x8FFFFFFF  }
0x98: {  	s18 =	sld [smem:$0x3FDB];
	_ =	sdelay $0x1  }
0x99: {  	s19 =	simm.s32 $_scs_section_size  }
0x9a: {  	s4 =	simm.s32 $_size__tile_overlayer_lowered;
	s5 =	simm.s32 $_tile_overlayer_lowered  }
0x9b: {  	s22 =	simm.s32 $0x1BFF;
	s21 =	sshll.u32 s5, $0x1;
	s2 =	sadd.s32 s19, s18  }
0x9c: {  	s6 =	simm.s32 $0x0;
	s20 =	sshll.u32 s4, $0x1;
	s4 =	sadd.s32 s21, s2  }
0x9d: {  	[timem:s6], [sflag:s22] =	dma.local [hbm:s4], s20  }
0x9e: {  	_ =	swait.ge [sflag:s22], s20  }
0x9f: {  	s3 =	ssub.s32 $0x0, s20;
	[sflag:s22] =	ssyncset.done $0x0  }
0xa0: {  	[sflag:s22] =	ssyncadd.s32 s3;
	_ =	sdelay $0x1  }
0xa1: {  	s23 =	simm.s32 $0x1B8B  }
0xa2: {  	_ =	swait.ge [sflag:s23], $0x1  }
0xa3: {  	[sflag:s23] =	ssyncset.done $0x0  }
0xa4: {  	s25 =	simm.s32 $0x1B8E;
	s24 =	sld [smem:$0x3FFE];
	[sflag:s23] =	ssyncadd.s32 $0xFFFFFFFF  }
0xa5: {  	s26 =	simm.s32 $execute0_lowered;
	[smem:$0x3FD2] =	sst s25  }
0xa6: {  	s4 =	sshll.u32 s26, $0x1;
	_ =	strace $0x80000046;
	[dreg:$0x1] =	wrdreg $0xFFFFFFFF  }
0xa7: {  	s28 =	simm.s32 $_size_execute0_lowered;
	s2 =	sadd.s32 s2, s4;
	[dreg:$0x0] =	wrdreg $0x0  }
0xa8: {  	s4 =	sshll.u32 s28, $0x1;
	[dreg:$0x2] =	wrdreg s2  }
0xa9: {  	[dreg:$0x3] =	wrdreg s4  }
0xaa: {  	[dreg:$0x4] =	wrdreg $0xC0  }
0xab: {  	_ =	task [dreg:s6], $0x5FFFF  }
0xac: {  	[dreg:$0x1] =	wrdreg $0xFFFFFFFF  }
0xad: {  	[dreg:$0x0] =	wrdreg $0x60  }
0xae: {  	[dreg:$0x2] =	wrdreg s24  }
0xaf: {  	[dreg:$0x3] =	wrdreg $0x9  }
0xb0: {  	_ =	task.clear_ibuf [dreg:s6], $0x4FFFF;
	_ =	strace $0x90000046  }
0xb1: {  	s29 =	simm.s32 $0x9;
	_ =	strace $0x80000048  }
0xb2: {  	_ =	swait.ge [sflag:s29], $0x1  }
0xb3: {  	[sflag:s29] =	ssyncadd.s32 $0xFFFFFFFF  }
0xb4: {  	_ =	strace $0x90000048  }
0xb5: {  	_ =	sfence  }
0xb6: {  	s30 =	sld [smem:$0x0];
	_ =	sdelay $0x2  }
0xb7: {  	s31 =	sshll.u32 s1, $0xD;
	s1 =	sshrl.u32 s1, $0x2  }
0xb8: {  	s3 =	sand.u32 $0x4000, s31;
	s1 =	sadd.s32 s1, s30  }
0xb9: {  	s0 =	sor.u32 s3, s0;
	s1 =	sshll.u32 s1, $0x11  }
0xba: {  	s0 =	sor.u32 s1, s0  }
0xbb: {  	s0 =	sadd.s32 $0x8F2B, s0  }
0xbc: {  	[sflag:s0] =	ssyncadd.remote.s32 $0x1  }
0xbd: {  	_ =	sfence.sel $0xFFFF  }
0xbe: {  	[dreg:$0x0] =	wrdreg $0xFFFFFFFF;
	(pc) =	sbr.abs _section_cstart, $3  }
0xbf: {  	[dreg:$0x1] =	wrdreg $0xFFFFFFFF  }
0xc0: {  	_ =	task.clear_ibuf [dreg:s6], $0x2FFFF;
	_ =	strace $0x9FFFFFFF  }
0xc1: {  	(tm) =	ssettm $0x7FFFFFFF  }
tec
execute0_lowered:
.L_overlay_start_1:
0x0: {  	(tag) =	ssettag $0x1  }
0x1: {  	s5 =	rddreg [dreg:$0x0]  }
0x2: {  	s0 =	rddreg [dreg:$0x1];
	s3 =	srdreg.scid  }
0x3: {  	s1 =	stileid.u32;
	s2 =	simm.s32 $0x0;
	s16 =	simm.s32 $0xB00  }
0x4: {  	s17 =	simm.s32 $0x1300;
	s18 =	simm.s32 $0x2300;
	s19 =	simm.s32 $0x1B00  }
0x5: {  	v0 =	vimm.s32 $0xFEDCBA98;
	s20 =	simm.s32 $0x0;
	s7 =	sand.u32 $0x1, s3;
	s6 =	smul.u32 $0x3, s1  }
0x6: {  	v1 =	vimm.s32 $0x76543210;
	[smem:$0x7FF] =	sst s2;
	s4 =	smul.u32 $0x480, s1;
	s9 =	sadd.s32 $0xA00, s5  }
0x7: {  	v2 =	vimm.s32 $0xBA98FEDC;
	v3 =	vimm.s32 $0x32107654;
	s12 =	sadd.s32 $0x3A00, s5;
	s25 =	smul.u32 $0x300, s1;
	s28 =	sshll.u32 s1, $0x1  }
0x8: {  	v4 =	vimm.s32 $0xDCFE98BA;
	s3 =	smul.u32 $0xC0, s7;
	_ =	strace $0x80000047;
	s10 =	ssub.s32 $0x2, s7  }
0x9: {  	v5 =	vimm.s32 $0x54761032;
	v6 =	vimm.s32 $0xEFCDAB89;
	v7 =	vimm.s32 $0x67452301;
	s8 =	sadd.s32 $0x1, s6;
	s13 =	sshrl.u32 s10, $0x1;
	s26 =	sshll.u32 s6, $0x8  }
0xa: {  	v0 =	vunpack.c.l.s4.s8 v0;
	v1 =	vunpack.c.l.s4.s8 v1;
	v2 =	vunpack.c.l.s4.s8 v2;
	s6 =	sadd.s32 s9, s25;
	s11 =	smul.u32 $0x180, s8;
	s4 =	sadd.s32 s3, s4  }
0xb: {  	v3 =	vunpack.c.l.s4.s8 v3;
	v4 =	vunpack.c.l.s4.s8 v4;
	v5 =	vunpack.c.l.s4.s8 v5;
	s13 =	ssub.s32 s10, s13;
	s8 =	sshll.u32 s8, $0x8;
	s10 =	sor.u32 s7, s28  }
0xc: {  	v6 =	vunpack.c.l.s4.s8 v6;
	v7 =	vunpack.c.l.s4.s8 v7;
	v0 =	vunpack.c.0.s8.s32 v0;
	s29 =	sadd.s32 s9, s26;
	s14 =	sshrl.u32 s4, $0x3;
	s15 =	sadd.s32 $0x300, s4  }
0xd: {  	v2 =	vunpack.c.0.s8.s32 v2;
	v3 =	vunpack.c.0.s8.s32 v3;
	v4 =	vunpack.c.0.s8.s32 v4;
	s7 =	sadd.s32 s9, s8;
	s30 =	sshll.u32 s10, $0x8;
	s8 =	sadd.s32 $0x200, s29  }
0xe: {  	v5 =	vunpack.c.0.s8.s32 v5;
	v6 =	vunpack.c.0.s8.s32 v6;
	v7 =	vunpack.c.0.s8.s32 v7;
	s10 =	sshll.u32 s10, $0x1;
	s11 =	sadd.s32 s3, s11;
	s3 =	sadd.s32 s5, s14  }
0xf: {  	v1 =	vunpack.c.0.s8.s32 v1;
	v2 =	vcombine.low v3, v2;
	s24 =	sshrl.u32 s15, $0x3;
	s31 =	sadd.s32 s30, s12;
	s9 =	sadd.s32 s12, s10  }
0x10: {  	v3 =	vcombine.low v5, v4;
	v0 =	vand.u32 $0xF, v0;
	v4 =	vcombine.low v7, v6;
	s12 =	simm.s32 $0x1;
	s14 =	simm.s32 $0x200;
	s15 =	simm.s32 $0x300  }
0x11: {  	v5 =	vimm.f32 $3.000000010e+38;
	v1 =	vcombine.low v0, v1;
	s23 =	sshrl.u32 s11, $0x3;
	s10 =	sadd.s32 $0x40, s31;
	s11 =	smax.u32 s13, $0x1  }
0x12: {  	s13 =	simm.s32 $0x100;
	v2 =	vand.u32 $0xF, v2;
	v3 =	vand.u32 $0xF, v3;
	v4 =	vand.u32 $0xF, v4;
	s4 =	sadd.s32 s5, s23;
	s5 =	sadd.s32 s5, s24  }
.LBB2_1:
0x13: {  	[tilespmem:s2], [sflag:$0x1] =	stream.linear.gather [hbm4b:s3+s2], $0xC0, $0x38;
	[tilespmem:$0x2380] =	vst v63  }
0x14: {  	_ =	swait.ge [sflag:s12], $0xC0  }
0x15: {  	[sflag:s12] =	ssyncset.done $0x0  }
0x16: {  	[sflag:s12] =	ssyncadd.s32 $0xFFFFFF40  }
0x17: {  	[tilespmem:s13], [sflag:$0x1] =	stream.linear.gather [hbm4b:s4+s2], $0xC0, $0x38;
	[tilespmem:$0x2380] =	vst v63  }
0x18: {  	_ =	swait.ge [sflag:s12], $0xC0  }
0x19: {  	[sflag:s12] =	ssyncset.done $0x0  }
0x1a: {  	[sflag:s12] =	ssyncadd.s32 $0xFFFFFF40  }
0x1b: {  	[tilespmem:s14], [sflag:$0x1] =	stream.linear.gather [hbm4b:s5+s2], $0xC0, $0x38;
	[tilespmem:$0x2380] =	vst v63  }
0x1c: {  	_ =	swait.ge [sflag:s12], $0xC0  }
0x1d: {  	[sflag:s12] =	ssyncset.done $0x0  }
0x1e: {  	[sflag:s12] =	ssyncadd.s32 $0xFFFFFF40  }
0x1f: {  	[tilespmem:s15], [sflag:$0x1] =	stream.linear.gather [hbm4b:s6+s2], $0x800, $0x38;
	[tilespmem:$0x2380] =	vst v63  }
0x20: {  	_ =	swait.ge [sflag:s12], $0x800  }
0x21: {  	[sflag:s12] =	ssyncset.done $0x0  }
0x22: {  	[sflag:s12] =	ssyncadd.s32 $0xFFFFF800  }
0x23: {  	[tilespmem:s16], [sflag:$0x1] =	stream.linear.gather [hbm4b:s7+s2], $0x800, $0x38;
	[tilespmem:$0x2380] =	vst v63  }
0x24: {  	_ =	swait.ge [sflag:s12], $0x800  }
0x25: {  	[sflag:s12] =	ssyncset.done $0x0  }
0x26: {  	[sflag:s12] =	ssyncadd.s32 $0xFFFFF800  }
0x27: {  	[tilespmem:s17], [sflag:$0x1] =	stream.linear.gather [hbm4b:s8+s2], $0x800, $0x38;
	[tilespmem:$0x2380] =	vst v63  }
0x28: {  	_ =	swait.ge [sflag:s12], $0x800  }
0x29: {  	[sflag:s12] =	ssyncset.done $0x0  }
0x2a: {  	s21 =	simm.s32 $0x0;
	[sflag:s12] =	ssyncadd.s32 $0xFFFFF800  }
.LBB2_2:
0x2b: {  	p0 =	sne.s32 s21, $0x1FC0  }
.Ltmp0:
0x2c: {  	_ = 	snop;
	(pc) =	sbr.rel @p0 .LBB2_2-.Ltmp0, $3  }
0x2d: {  	_ =	sdelay $0x1  }
0x2e: {  	s22 =	sshra.s32 s21, $0x2  }
0x2f: {  	s21 =	sadd.s32 $0x40, s21;
	[tilespmem:s22+$0x1B00] =	vst v5  }
0x30: {  	s21 =	simm.s32 $0x0;
	s22 =	simm.f32 $0.0e+00  }
.LBB2_4:
0x31: {  	s23 =	sshll.u32 s21, $0x4  }
0x32: {  	v7 =	vld [tilespmem:s23+$0x0];
	_ =	sdelay $0x3  }
0x33: {  	v6 =	vld [tilespmem:s23+$0x100]  }
0x34: {  	v15 =	vimm.f32 $3.000000010e+38;
	v12 =	vbroadcast v7, $0x0  }
0x35: {  	v19 =	vimm.f32 $3.000000010e+38;
	v5 =	vld [tilespmem:s23+$0x200];
	v18 =	vbroadcast v7, $0x1;
	v22 =	vbroadcast v7, $0x2  }
0x36: {  	v17 =	vimm.f32 $3.000000010e+38;
	s23 =	simm.s32 $0x0;
	v23 =	vbroadcast v7, $0x3;
	v24 =	vbroadcast v7, $0x4  }
0x37: {  	v11 =	vimm.f32 $3.000000010e+38;
	v43 =	vld [tilespmem:s23+$0x1300];
	v25 =	vbroadcast v7, $0x5;
	v26 =	vbroadcast v7, $0x6  }
0x38: {  	v10 =	vimm.f32 $3.000000010e+38;
	v41 =	vld [tilespmem:s23+$0x300];
	v27 =	vbroadcast v7, $0x7;
	v21 =	vbroadcast v6, $0x0  }
0x39: {  	v9 =	vimm.f32 $3.000000010e+38;
	v33 =	vld [tilespmem:s23+$0xB00];
	v20 =	vbroadcast v6, $0x1;
	v16 =	vbroadcast v6, $0x2  }
0x3a: {  	v8 =	vimm.f32 $3.000000010e+38;
	v28 =	vbroadcast v6, $0x4;
	v30 =	vbroadcast v5, $0x7  }
0x3b: {  	v13 =	vimm.f32 $3.000000010e+38;
	v31 =	vbroadcast v5, $0x5;
	v32 =	vbroadcast v5, $0x6  }
0x3c: {  	v34 =	vbroadcast v6, $0x6;
	v35 =	vbroadcast v6, $0x7;
	v45 =	vsub.f32 v43, v30  }
0x3d: {  	v36 =	vbroadcast v5, $0x4;
	v46 =	vsub.f32 v43, v31;
	v0 =	vsub.f32 v43, v32  }
0x3e: {  	v38 =	vbroadcast v5, $0x3;
	v50 =	vsub.f32 v41, v27;
	v47 =	vsub.f32 v33, v35  }
0x3f: {  	v29 =	vbroadcast v6, $0x5;
	v53 =	vsub.f32 v43, v36;
	v49 =	vsub.f32 v41, v26  }
0x40: {  	v39 =	vbroadcast v5, $0x2;
	v48 =	vsub.f32 v43, v38;
	v54 =	vsub.f32 v33, v34  }
0x41: {  	v40 =	vbroadcast v5, $0x1;
	v52 =	vsub.f32 v41, v25;
	v42 =	vsub.f32 v33, v29  }
0x42: {  	v14 =	vbroadcast v6, $0x3;
	v55 =	vsub.f32 v43, v39;
	v56 =	vsub.f32 v41, v24  }
0x43: {  	s24 =	simm.s32 $0x40;
	v37 =	vbroadcast v5, $0x0;
	v51 =	vsub.f32 v43, v40;
	v44 =	vsub.f32 v33, v28  }
.LBB2_5:
0x44: {  	p0 =	sne.s32 s24, $0x1FC0;
	v57 =	vsub.f32 v41, v23;
	v0 =	vmul.f32 v0, v0;
	v45 =	vmul.f32 v45, v45  }
0x45: {  	v43 =	vsub.f32 v43, v37;
	v46 =	vmul.f32 v46, v46;
	v50 =	vmul.f32 v50, v50  }
0x46: {  	v58 =	vsub.f32 v41, v22;
	v53 =	vmul.f32 v53, v53;
	v47 =	vmul.f32 v47, v47  }
0x47: {  	v59 =	vsub.f32 v41, v18;
	v49 =	vmul.f32 v49, v49;
	v54 =	vmul.f32 v54, v54  }
0x48: {  	v41 =	vsub.f32 v41, v12;
	v48 =	vmul.f32 v48, v48;
	v52 =	vmul.f32 v52, v52  }
0x49: {  	v60 =	vsub.f32 v33, v21;
	v55 =	vmul.f32 v55, v55;
	v56 =	vmul.f32 v56, v56  }
0x4a: {  	v61 =	vsub.f32 v33, v20;
	v51 =	vmul.f32 v51, v51;
	v43 =	vmul.f32 v43, v43  }
0x4b: {  	v62 =	vsub.f32 v33, v16;
	v41 =	vmul.f32 v41, v41;
	v60 =	vmul.f32 v60, v60  }
0x4c: {  	v33 =	vsub.f32 v33, v14;
	v59 =	vmul.f32 v59, v59;
	v61 =	vmul.f32 v61, v61;
	v63 =	vld [tilespmem:s23+$0x1B00]  }
0x4d: {  	v58 =	vmul.f32 v58, v58;
	v41 =	vadd.f32 v60, v41;
	v60 =	vmul.f32 v62, v62  }
0x4e: {  	v57 =	vmul.f32 v57, v57;
	v33 =	vmul.f32 v33, v33;
	v59 =	vadd.f32 v61, v59  }
0x4f: {  	v61 =	vadd.f32 v43, v41;
	v41 =	vadd.f32 v60, v58;
	v43 =	vmul.f32 v44, v44  }
0x50: {  	v42 =	vmul.f32 v42, v42;
	v33 =	vadd.f32 v33, v57;
	v44 =	vadd.f32 v51, v59  }
0x51: {  	s25 =	sshra.s32 s24, $0x2;
	v55 =	vadd.f32 v55, v41;
	v56 =	vadd.f32 v43, v56;
	v51 =	vmin.f32 v63, v61  }
0x52: {  	v42 =	vadd.f32 v42, v52;
	v48 =	vadd.f32 v48, v33;
	v43 =	vld [tilespmem:s25+$0x1300];
	v51 =	vmin.f32 v51, v44  }
0x53: {  	v49 =	vadd.f32 v54, v49;
	v52 =	vadd.f32 v53, v56;
	v41 =	vld [tilespmem:s25+$0x300];
	v51 =	vmin.f32 v51, v55  }
0x54: {  	v42 =	vadd.f32 v46, v42;
	v46 =	vadd.f32 v47, v50;
	v33 =	vld [tilespmem:s25+$0xB00];
	v51 =	vmin.f32 v51, v48  }
0x55: {  	v15 =	vmin.f32 v15, v61;
	v47 =	vmin.f32 v51, v52;
	v51 =	vadd.f32 v0, v49  }
0x56: {  	v19 =	vmin.f32 v19, v44;
	v44 =	vadd.f32 v45, v46;
	v0 =	vmin.f32 v47, v42  }
0x57: {  	v17 =	vmin.f32 v17, v55;
	v45 =	vsub.f32 v43, v30;
	v47 =	vmin.f32 v0, v51  }
0x58: {  	v46 =	vsub.f32 v43, v31;
	v0 =	vsub.f32 v43, v32;
	v49 =	vmin.f32 v47, v44  }
0x59: {  	v11 =	vmin.f32 v11, v48;
	v50 =	vsub.f32 v41, v27;
	v47 =	vsub.f32 v33, v35;
	[tilespmem:s23+$0x1B00] =	vst v49;
	s23 =	smov.u32 s25  }
.Ltmp1:
0x5a: {  	v10 =	vmin.f32 v10, v52;
	v53 =	vsub.f32 v43, v36;
	v49 =	vsub.f32 v41, v26;
	(pc) =	sbr.rel @p0 .LBB2_5-.Ltmp1, $4  }
0x5b: {  	v9 =	vmin.f32 v9, v42;
	v48 =	vsub.f32 v43, v38;
	v54 =	vsub.f32 v33, v34  }
0x5c: {  	v8 =	vmin.f32 v8, v51;
	v52 =	vsub.f32 v41, v25;
	v42 =	vsub.f32 v33, v29  }
0x5d: {  	v13 =	vmin.f32 v13, v44;
	v55 =	vsub.f32 v43, v39;
	v56 =	vsub.f32 v41, v24  }
0x5e: {  	s24 =	sadd.s32 $0x40, s24;
	v51 =	vsub.f32 v43, v40;
	v44 =	vsub.f32 v33, v28  }
0x5f: {  	v0 =	vmul.f32 v0, v0  }
0x60: {  	v25 =	vsub.f32 v43, v37;
	v26 =	vmul.f32 v46, v46;
	v22 =	vsub.f32 v41, v22  }
0x61: {  	v28 =	vmul.f32 v53, v53;
	v18 =	vsub.f32 v41, v18;
	v30 =	vmul.f32 v49, v49  }
0x62: {  	v31 =	vmul.f32 v54, v54;
	v12 =	vsub.f32 v41, v12;
	v32 =	vmul.f32 v48, v48  }
0x63: {  	v34 =	vmul.f32 v52, v52;
	v21 =	vsub.f32 v33, v21;
	v35 =	vmul.f32 v55, v55  }
0x64: {  	v36 =	vmul.f32 v56, v56;
	v20 =	vsub.f32 v33, v20;
	v63 =	vmul.f32 v51, v51  }
0x65: {  	v16 =	vsub.f32 v33, v16;
	v25 =	vmul.f32 v25, v25;
	v12 =	vmul.f32 v12, v12  }
0x66: {  	v14 =	vsub.f32 v33, v14;
	v21 =	vmul.f32 v21, v21;
	v18 =	vmul.f32 v18, v18  }
0x67: {  	v23 =	vsub.f32 v41, v23;
	v38 =	vld [tilespmem:s23+$0x1B00];
	v20 =	vmul.f32 v20, v20;
	v16 =	vmul.f32 v16, v16  }
0x68: {  	v14 =	vmul.f32 v14, v14;
	v12 =	vadd.f32 v21, v12;
	v21 =	vmul.f32 v22, v22  }
0x69: {  	v18 =	vadd.f32 v20, v18;
	v20 =	vmul.f32 v23, v23;
	v23 =	vadd.f32 v31, v30  }
0x6a: {  	v12 =	vadd.f32 v25, v12;
	v16 =	vadd.f32 v16, v21;
	v21 =	vmul.f32 v44, v44  }
0x6b: {  	v18 =	vadd.f32 v63, v18;
	v14 =	vadd.f32 v14, v20;
	v20 =	vmul.f32 v42, v42  }
0x6c: {  	v0 =	vadd.f32 v0, v23;
	v22 =	vmin.f32 v38, v12;
	v16 =	vadd.f32 v35, v16  }
0x6d: {  	v21 =	vadd.f32 v21, v36;
	v14 =	vadd.f32 v32, v14;
	v12 =	vmin.f32 v15, v12  }
0x6e: {  	v22 =	vmin.f32 v22, v18;
	v18 =	vmin.f32 v19, v18;
	v19 =	vperm.xlane v12, v1  }
0x6f: {  	v20 =	vadd.f32 v20, v34;
	v22 =	vmin.f32 v22, v16;
	v21 =	vadd.f32 v28, v21  }
0x70: {  	v16 =	vmin.f32 v17, v16;
	v17 =	vperm.xlane v18, v1;
	v12 =	vmin.f32 v12, v19  }
0x71: {  	v25 =	vadd.f32 v26, v20;
	v11 =	vmin.f32 v11, v14;
	v20 =	vperm.xlane v12, v2  }
0x72: {  	v22 =	vmin.f32 v22, v14;
	v19 =	vperm.xlane v16, v1;
	v17 =	vmin.f32 v18, v17  }
0x73: {  	v18 =	vmin.f32 v10, v21;
	v14 =	vperm.xlane v17, v2;
	v10 =	vmin.f32 v12, v20  }
0x74: {  	v16 =	vmin.f32 v16, v19;
	v19 =	vmin.f32 v9, v25;
	v9 =	vperm.xlane v10, v3  }
0x75: {  	v24 =	vmul.f32 v45, v45;
	v12 =	vperm.xlane v16, v2  }
0x76: {  	v20 =	vmin.f32 v8, v0;
	v14 =	vmin.f32 v17, v14;
	v8 =	vmin.f32 v10, v9  }
0x77: {  	v17 =	vperm.xlane v14, v3;
	[tilespmem:$0x1FF30] =	vst v8;
	v8 =	vperm.xlane v8, v4  }
0x78: {  	v27 =	vmul.f32 v50, v50;
	v29 =	vmul.f32 v47, v47  }
0x79: {  	v12 =	vmin.f32 v16, v12;
	v16 =	vperm.xlane v11, v1;
	[tilespmem:$0x1FF40] =	vst v8;
	v8 =	vmin.f32 v14, v17  }
0x7a: {  	v15 =	vadd.f32 v29, v27;
	v10 =	vperm.xlane v12, v3;
	[tilespmem:$0x1FF50] =	vst v8;
	v8 =	vperm.xlane v8, v4  }
0x7b: {  	v11 =	vmin.f32 v11, v16;
	v14 =	vperm.xlane v18, v1  }
0x7c: {  	v15 =	vadd.f32 v24, v15;
	[tilespmem:$0x1FF60] =	vst v8;
	v8 =	vmin.f32 v12, v10;
	v12 =	vperm.xlane v11, v2  }
0x7d: {  	v26 =	vmin.f32 v22, v21;
	v16 =	vperm.xlane v20, v1;
	v14 =	vmin.f32 v18, v14  }
0x7e: {  	v21 =	vperm.xlane v14, v2;
	v11 =	vmin.f32 v11, v12;
	v12 =	vperm.xlane v19, v1  }
0x7f: {  	v13 =	vmin.f32 v13, v15;
	[tilespmem:$0x1FF70] =	vst v8;
	v8 =	vperm.xlane v8, v4;
	v17 =	vperm.xlane v11, v3  }
0x80: {  	v18 =	vperm.xlane v13, v1;
	v12 =	vmin.f32 v19, v12;
	v19 =	vmin.f32 v20, v16  }
0x81: {  	[tilespmem:$0x1FF80] =	vst v8;
	v20 =	vperm.xlane v12, v2;
	v8 =	vmin.f32 v11, v17;
	v11 =	vmin.f32 v14, v21  }
0x82: {  	v22 =	vperm.xlane v19, v2;
	v17 =	vperm.xlane v11, v3  }
0x83: {  	v13 =	vmin.f32 v13, v18;
	[tilespmem:$0x1FF90] =	vst v8;
	v8 =	vperm.xlane v8, v4;
	v12 =	vmin.f32 v12, v20  }
0x84: {  	v18 =	vmin.f32 v19, v22;
	v19 =	vperm.xlane v12, v3;
	v20 =	vmin.f32 v11, v17  }
0x85: {  	[tilespmem:$0x1FFA0] =	vst v8;
	v8 =	vperm.xlane v20, v4  }
0x86: {  	v14 =	vperm.xlane v13, v2;
	v21 =	vperm.xlane v18, v3;
	v19 =	vmin.f32 v12, v19  }
0x87: {  	[tilespmem:$0x1FFB0] =	vst v8;
	v8 =	vperm.xlane v19, v4  }
0x88: {  	v37 =	vbroadcast v7, $0xC;
	v13 =	vmin.f32 v13, v14;
	v17 =	vmin.f32 v18, v21  }
0x89: {  	v11 =	vperm.xlane v13, v3;
	[tilespmem:$0x1FFC0] =	vst v8;
	v8 =	vperm.xlane v17, v4  }
0x8a: {  	v39 =	vbroadcast v7, $0xE;
	v40 =	vbroadcast v7, $0xF  }
0x8b: {  	v41 =	vbroadcast v6, $0xC;
	[tilespmem:$0x1FFD0] =	vst v8;
	v8 =	vmin.f32 v13, v11;
	v11 =	vmin.f32 v26, v25  }
0x8c: {  	v43 =	vbroadcast v5, $0xF;
	v45 =	vbroadcast v5, $0xE;
	v0 =	vmin.f32 v11, v0  }
0x8d: {  	v46 =	vbroadcast v6, $0xE;
	v47 =	vbroadcast v6, $0xF;
	v0 =	vmin.f32 v0, v15  }
0x8e: {  	v48 =	vbroadcast v5, $0xC;
	v50 =	vbroadcast v5, $0x8;
	[tilespmem:s23+$0x1B00] =	vst v0;
	s23 =	simm.s32 $0x0  }
0x8f: {  	v52 =	vbroadcast v5, $0xA;
	v53 =	vbroadcast v5, $0x9;
	v57 =	vld [tilespmem:s23+$0x1300]  }
0x90: {  	v33 =	vimm.f32 $3.000000010e+38;
	v51 =	vbroadcast v5, $0xB;
	v42 =	vbroadcast v6, $0xD;
	v54 =	vld [tilespmem:s23+$0x300]  }
0x91: {  	v30 =	vimm.f32 $3.000000010e+38;
	v44 =	vbroadcast v5, $0xD;
	v34 =	vbroadcast v7, $0xA;
	v49 =	vld [tilespmem:s23+$0xB00]  }
0x92: {  	v31 =	vimm.f32 $3.000000010e+38;
	v36 =	vbroadcast v7, $0xB;
	v38 =	vbroadcast v7, $0xD  }
0x93: {  	v5 =	vimm.f32 $3.000000010e+38;
	v35 =	vbroadcast v6, $0x8;
	v32 =	vbroadcast v6, $0x9  }
0x94: {  	v27 =	vbroadcast v6, $0xA;
	v29 =	vimm.f32 $3.000000010e+38;
	v56 =	vsub.f32 v57, v43  }
0x95: {  	v24 =	vbroadcast v7, $0x8;
	v58 =	vsub.f32 v57, v44;
	v11 =	vsub.f32 v57, v45  }
0x96: {  	v28 =	vimm.f32 $3.000000010e+38;
	v63 =	vsub.f32 v54, v40;
	v59 =	vsub.f32 v49, v47  }
0x97: {  	v26 =	vbroadcast v7, $0x9;
	v13 =	vsub.f32 v57, v48;
	v0 =	vsub.f32 v54, v39  }
0x98: {  	v7 =	vbroadcast v6, $0xB;
	v62 =	vsub.f32 v57, v51;
	v15 =	vsub.f32 v49, v46  }
0x99: {  	[tilespmem:$0x1FFE0] =	vst v8;
	v8 =	vperm.xlane v8, v4;
	v12 =	vsub.f32 v54, v38;
	v55 =	vsub.f32 v49, v42  }
0x9a: {  	v6 =	vimm.f32 $3.000000010e+38;
	v18 =	vsub.f32 v57, v52;
	v21 =	vsub.f32 v54, v37  }
0x9b: {  	s24 =	simm.s32 $0x40;
	v25 =	vimm.f32 $3.000000010e+38;
	[tilespmem:$0x1FFF0] =	vst v8;
	v61 =	vsub.f32 v57, v53;
	v60 =	vsub.f32 v49, v41  }
.LBB2_7:
0x9c: {  	p0 =	sne.s32 s24, $0x1FC0;
	v22 =	vsub.f32 v54, v36;
	v11 =	vmul.f32 v11, v11;
	v56 =	vmul.f32 v56, v56  }
0x9d: {  	v57 =	vsub.f32 v57, v50;
	v58 =	vmul.f32 v58, v58;
	v63 =	vmul.f32 v63, v63  }
0x9e: {  	v23 =	vsub.f32 v54, v34;
	v13 =	vmul.f32 v13, v13;
	v59 =	vmul.f32 v59, v59  }
0x9f: {  	v8 =	vsub.f32 v54, v26;
	v0 =	vmul.f32 v0, v0;
	v15 =	vmul.f32 v15, v15  }
0xa0: {  	v54 =	vsub.f32 v54, v24;
	v62 =	vmul.f32 v62, v62;
	v12 =	vmul.f32 v12, v12  }
0xa1: {  	v9 =	vsub.f32 v49, v35;
	v18 =	vmul.f32 v18, v18;
	v21 =	vmul.f32 v21, v21  }
0xa2: {  	v10 =	vsub.f32 v49, v32;
	v61 =	vmul.f32 v61, v61;
	v57 =	vmul.f32 v57, v57  }
0xa3: {  	v14 =	vsub.f32 v49, v27;
	v54 =	vmul.f32 v54, v54;
	v9 =	vmul.f32 v9, v9  }
0xa4: {  	v49 =	vsub.f32 v49, v7;
	v8 =	vmul.f32 v8, v8;
	v10 =	vmul.f32 v10, v10;
	v16 =	vld [tilespmem:s23+$0x1B00]  }
0xa5: {  	v23 =	vmul.f32 v23, v23;
	v14 =	vmul.f32 v14, v14;
	v9 =	vadd.f32 v9, v54  }
0xa6: {  	v8 =	vadd.f32 v10, v8;
	v10 =	vmul.f32 v22, v22;
	v22 =	vmul.f32 v49, v49  }
0xa7: {  	v14 =	vadd.f32 v14, v23;
	v23 =	vmul.f32 v60, v60;
	v9 =	vadd.f32 v57, v9  }
0xa8: {  	v8 =	vadd.f32 v61, v8;
	v10 =	vadd.f32 v22, v10;
	v22 =	vmul.f32 v55, v55  }
0xa9: {  	s25 =	sshra.s32 s24, $0x2;
	v14 =	vadd.f32 v18, v14;
	v18 =	vadd.f32 v23, v21;
	v16 =	vmin.f32 v16, v9  }
0xaa: {  	v10 =	vadd.f32 v62, v10;
	v12 =	vadd.f32 v22, v12;
	v57 =	vld [tilespmem:s25+$0x1300];
	v16 =	vmin.f32 v16, v8  }
0xab: {  	v0 =	vadd.f32 v15, v0;
	v18 =	vadd.f32 v13, v18;
	v54 =	vld [tilespmem:s25+$0x300];
	v16 =	vmin.f32 v16, v14  }
0xac: {  	v15 =	vadd.f32 v59, v63;
	v12 =	vadd.f32 v58, v12;
	v49 =	vld [tilespmem:s25+$0xB00];
	v13 =	vmin.f32 v16, v10  }
0xad: {  	v6 =	vmin.f32 v6, v9;
	v16 =	vadd.f32 v11, v0;
	v9 =	vmin.f32 v13, v18  }
0xae: {  	v33 =	vmin.f32 v33, v8;
	v8 =	vadd.f32 v56, v15;
	v0 =	vmin.f32 v9, v12  }
0xaf: {  	v28 =	vmin.f32 v28, v14;
	v56 =	vsub.f32 v57, v43;
	v0 =	vmin.f32 v0, v16  }
0xb0: {  	v58 =	vsub.f32 v57, v44;
	v11 =	vsub.f32 v57, v45;
	v0 =	vmin.f32 v0, v8  }
0xb1: {  	v29 =	vmin.f32 v29, v10;
	v63 =	vsub.f32 v54, v40;
	v59 =	vsub.f32 v49, v47;
	[tilespmem:s23+$0x1B00] =	vst v0;
	s23 =	smov.u32 s25  }
.Ltmp2:
0xb2: {  	v30 =	vmin.f32 v30, v18;
	v13 =	vsub.f32 v57, v48;
	v0 =	vsub.f32 v54, v39;
	(pc) =	sbr.rel @p0 .LBB2_7-.Ltmp2, $4  }
0xb3: {  	v31 =	vmin.f32 v31, v12;
	v62 =	vsub.f32 v57, v51;
	v15 =	vsub.f32 v49, v46  }
0xb4: {  	v25 =	vmin.f32 v25, v16;
	v12 =	vsub.f32 v54, v38;
	v55 =	vsub.f32 v49, v42  }
0xb5: {  	v5 =	vmin.f32 v5, v8;
	v18 =	vsub.f32 v57, v52;
	v21 =	vsub.f32 v54, v37  }
0xb6: {  	s24 =	sadd.s32 $0x40, s24;
	v61 =	vsub.f32 v57, v53;
	v60 =	vsub.f32 v49, v41  }
0xb7: {  	v8 =	vsub.f32 v54, v36;
	v9 =	vmul.f32 v11, v11  }
0xb8: {  	v10 =	vsub.f32 v57, v50;
	v46 =	vmul.f32 v63, v63;
	v13 =	vmul.f32 v13, v13  }
0xb9: {  	v14 =	vsub.f32 v54, v34;
	v0 =	vmul.f32 v0, v0;
	v15 =	vmul.f32 v15, v15  }
0xba: {  	v16 =	vsub.f32 v54, v26;
	v23 =	vmul.f32 v62, v62;
	v12 =	vmul.f32 v12, v12  }
0xbb: {  	v22 =	vsub.f32 v54, v24;
	v18 =	vmul.f32 v18, v18;
	v52 =	vmul.f32 v55, v55  }
0xbc: {  	v47 =	vsub.f32 v49, v35;
	v53 =	vmul.f32 v59, v59;
	v54 =	vmul.f32 v58, v58  }
0xbd: {  	v48 =	vsub.f32 v49, v32;
	v55 =	vmul.f32 v56, v56;
	v50 =	vmul.f32 v61, v61  }
0xbe: {  	v27 =	vsub.f32 v49, v27;
	v22 =	vmul.f32 v22, v22;
	v24 =	vmul.f32 v47, v47  }
0xbf: {  	v16 =	vmul.f32 v16, v16;
	v26 =	vmul.f32 v48, v48  }
0xc0: {  	v7 =	vsub.f32 v49, v7;
	v62 =	vld [tilespmem:$0x1FF40];
	v14 =	vmul.f32 v14, v14;
	v27 =	vmul.f32 v27, v27  }
0xc1: {  	v36 =	vld [tilespmem:$0x1FFC0];
	v8 =	vmul.f32 v8, v8;
	v12 =	vadd.f32 v52, v12;
	v0 =	vadd.f32 v15, v0  }
0xc2: {  	v61 =	vld [tilespmem:$0x1FF30];
	v49 =	vmul.f32 v7, v7;
	v56 =	vadd.f32 v53, v46;
	v22 =	vadd.f32 v24, v22  }
0xc3: {  	v10 =	vmul.f32 v10, v10;
	v16 =	vadd.f32 v26, v16;
	v14 =	vadd.f32 v27, v14  }
0xc4: {  	v21 =	vmul.f32 v21, v21;
	v8 =	vadd.f32 v49, v8;
	v32 =	vadd.f32 v54, v12  }
0xc5: {  	v51 =	vmul.f32 v60, v60;
	v35 =	vadd.f32 v9, v0;
	v7 =	vadd.f32 v10, v22  }
0xc6: {  	v15 =	vmin.f32 v19, v36;
	v24 =	vadd.f32 v50, v16;
	v26 =	vadd.f32 v18, v14  }
0xc7: {  	v10 =	vadd.f32 v51, v21;
	v27 =	vadd.f32 v23, v8;
	v12 =	vmin.f32 v61, v62;
	v16 =	vld [tilespmem:$0x1FF50]  }
0xc8: {  	v63 =	vmin.f32 v31, v32;
	v18 =	vld [tilespmem:$0x1FF60];
	v21 =	vmin.f32 v25, v35;
	(v2sf) =	vpush v12, $0x0  }
0xc9: {  	v22 =	vld [tilespmem:$0x1FF70];
	v51 =	vperm.xlane v63, v1;
	v53 =	vperm.xlane v21, v1;
	v34 =	vadd.f32 v13, v10  }
0xca: {  	v23 =	vld [tilespmem:$0x1FF80];
	v57 =	vmin.f32 v6, v7;
	v0 =	vmin.f32 v33, v24;
	v58 =	vmin.f32 v28, v26  }
0xcb: {  	v25 =	vld [tilespmem:$0x1FF90];
	v59 =	vmin.f32 v29, v27;
	v29 =	vperm.xlane v57, v1;
	v31 =	vperm.xlane v0, v1  }
0xcc: {  	v6 =	vadd.f32 v55, v56;
	v28 =	vld [tilespmem:$0x1FFA0];
	v33 =	vperm.xlane v58, v1;
	v46 =	vperm.xlane v59, v1  }
0xcd: {  	v52 =	vmin.f32 v63, v51;
	v60 =	vmin.f32 v30, v34;
	v12 =	vmin.f32 v16, v18  }
0xce: {  	v30 =	vld [tilespmem:$0x1FFB0];
	v8 =	vmin.f32 v57, v29;
	v0 =	vmin.f32 v0, v31;
	(v2sf) =	vpush v12, $0x0  }
0xcf: {  	v39 =	vld [tilespmem:$0x1FFD0];
	v9 =	vmin.f32 v58, v33;
	v10 =	vmin.f32 v59, v46;
	v12 =	vmin.f32 v22, v23  }
0xd0: {  	v42 =	vld [tilespmem:$0x1FFE0];
	v37 =	vperm.xlane v8, v2;
	v38 =	vperm.xlane v0, v2;
	(v2sf) =	vpush v12, $0x0  }
0xd1: {  	v43 =	vld [tilespmem:$0x1FFF0];
	v49 =	vperm.xlane v60, v1;
	v40 =	vperm.xlane v9, v2;
	v12 =	vmin.f32 v25, v28  }
0xd2: {  	(v2sf) =	vpush v12, $0x0;
	v8 =	vmin.f32 v8, v37;
	v0 =	vmin.f32 v0, v38  }
0xd3: {  	v9 =	vmin.f32 v9, v40;
	v12 =	vmin.f32 v20, v30;
	v41 =	vperm.xlane v8, v3  }
0xd4: {  	v44 =	vperm.xlane v0, v3;
	v45 =	vperm.xlane v9, v3;
	(v2sf) =	vpush v12, $0x0  }
0xd5: {  	v12 =	vmin.f32 v17, v39;
	(v2sf) =	vpush v15, $0x0;
	v8 =	vmin.f32 v8, v41  }
0xd6: {  	v15 =	vmin.f32 v42, v43;
	v0 =	vmin.f32 v0, v44;
	v47 =	vperm.xlane v8, v4  }
0xd7: {  	v9 =	vmin.f32 v9, v45;
	(v2sf) =	vpush v12, $0x0;
	v17 =	vperm.xlane v0, v4  }
0xd8: {  	v12 =	vperm.xlane v9, v4;
	(v2sf) =	vpush v15, $0x0;
	v8 =	vmin.f32 v8, v47  }
0xd9: {  	v48 =	vperm.xlane v10, v2;
	v0 =	vmin.f32 v0, v17;
	(v2sf) =	vpush v8, $0x0  }
0xda: {  	v8 =	vmin.f32 v60, v49;
	(v2sf) =	vpush v0, $0x0;
	v0 =	vmin.f32 v9, v12  }
0xdb: {  	v50 =	vmin.f32 v10, v48;
	s24 =	spop (v2sf);
	(v2sf) =	vpush v0, $0x0;
	v0 =	vperm.xlane v8, v2  }
0xdc: {  	v11 =	vmin.f32 v21, v53;
	v5 =	vmin.f32 v5, v6;
	v10 =	vperm.xlane v50, v3;
	s22 =	sadd.f32 s24, s22  }
0xdd: {  	v55 =	vperm.xlane v52, v2;
	v57 =	vperm.xlane v5, v1;
	v0 =	vmin.f32 v8, v0;
	s29 =	spop (v2sf)  }
0xde: {  	v58 =	vperm.xlane v11, v2;
	v9 =	vmin.f32 v50, v10;
	v56 =	vperm.xlane v0, v3;
	s22 =	sadd.f32 s29, s22  }
0xdf: {  	v5 =	vmin.f32 v5, v57;
	v54 =	vperm.xlane v9, v4;
	v8 =	vmin.f32 v52, v55;
	s30 =	spop (v2sf)  }
0xe0: {  	v60 =	vperm.xlane v5, v2;
	v59 =	vperm.xlane v8, v3;
	v0 =	vmin.f32 v0, v56;
	s22 =	sadd.f32 s30, s22  }
0xe1: {  	v10 =	vmin.f32 v11, v58;
	v9 =	vmin.f32 v9, v54;
	s31 =	spop (v2sf);
	v13 =	vperm.xlane v0, v4  }
0xe2: {  	v61 =	vperm.xlane v10, v3;
	(v2sf) =	vpush v9, $0x0;
	v8 =	vmin.f32 v8, v59;
	s22 =	sadd.f32 s31, s22  }
0xe3: {  	v5 =	vmin.f32 v5, v60;
	v12 =	vperm.xlane v8, v4;
	s25 =	spop (v2sf);
	v0 =	vmin.f32 v0, v13  }
0xe4: {  	v62 =	vperm.xlane v5, v3;
	(v2sf) =	vpush v0, $0x0;
	v0 =	vmin.f32 v10, v61;
	s22 =	sadd.f32 s25, s22  }
0xe5: {  	v8 =	vmin.f32 v8, v12;
	s26 =	spop (v2sf);
	v10 =	vperm.xlane v0, v4  }
0xe6: {  	v5 =	vmin.f32 v5, v62;
	(v2sf) =	vpush v8, $0x0;
	s22 =	sadd.f32 s26, s22  }
0xe7: {  	v63 =	vperm.xlane v5, v4;
	s28 =	spop (v2sf);
	v0 =	vmin.f32 v0, v10  }
0xe8: {  	(v2sf) =	vpush v0, $0x0;
	s22 =	sadd.f32 s28, s22  }
0xe9: {  	s29 =	spop (v2sf);
	v0 =	vmin.f32 v5, v63  }
0xea: {  	(v2sf) =	vpush v0, $0x0;
	s22 =	sadd.f32 s29, s22  }
0xeb: {  	s30 =	spop (v2sf)  }
0xec: {  	s22 =	sadd.f32 s30, s22  }
0xed: {  	s31 =	spop (v2sf);
	v0 =	vld [tilespmem:s23+$0x1B00]  }
0xee: {  	s22 =	sadd.f32 s31, s22  }
0xef: {  	s25 =	spop (v2sf)  }
0xf0: {  	s22 =	sadd.f32 s25, s22  }
0xf1: {  	s26 =	spop (v2sf)  }
0xf2: {  	v0 =	vmin.f32 v0, v7;
	s22 =	sadd.f32 s26, s22  }
0xf3: {  	v0 =	vmin.f32 v0, v24;
	s28 =	spop (v2sf)  }
0xf4: {  	s21 =	sadd.s32 $0x1, s21;
	v0 =	vmin.f32 v0, v26;
	s22 =	sadd.f32 s28, s22  }
0xf5: {  	p0 =	sne.s32 s21, $0xC;
	v0 =	vmin.f32 v0, v27;
	s29 =	spop (v2sf)  }
.Ltmp3:
0xf6: {  	v0 =	vmin.f32 v0, v34;
	s22 =	sadd.f32 s29, s22;
	(pc) =	sbr.rel @p0 .LBB2_4-.Ltmp3, $4  }
0xf7: {  	v0 =	vmin.f32 v0, v32;
	s30 =	spop (v2sf)  }
0xf8: {  	v0 =	vmin.f32 v0, v35;
	s22 =	sadd.f32 s30, s22  }
0xf9: {  	v0 =	vmin.f32 v0, v6;
	s31 =	spop (v2sf)  }
0xfa: {  	[tilespmem:s23+$0x1B00] =	vst v0;
	s22 =	sadd.f32 s31, s22  }
0xfb: {  	_ = 	snop  }
0xfc: {  	v0 =	vmov s22  }
0xfd: {  	[tilespmem:$0x2300] =	vst v0  }
0xfe: {  	[hbm4b:s9+s2] =	stream.linear.scatter [tilespmem:s18], [sflag:$0x1], $0x10, $0x38;
	[tilespmem:$0x2380] =	vst v63  }
0xff: {  	s20 =	sadd.s32 $0x1, s20;
	_ =	swait.ge [sflag:s12], $0x10  }
0x100: {  	p0 =	sne.s32 s20, s11;
	[sflag:s12] =	ssyncset.done $0x0  }
.Ltmp4:
0x101: {  	[sflag:s12] =	ssyncadd.s32 $0xFFFFFFF0;
	(pc) =	sbr.rel @p0 .LBB2_1-.Ltmp4, $4  }
0x102: {  	[hbm4b:s10+s2] =	stream.linear.scatter [tilespmem:s19], [sflag:$0x1], $0x800, $0x38;
	[tilespmem:$0x2380] =	vst v63  }
0x103: {  	_ =	swait.ge [sflag:s12], $0x800  }
0x104: {  	[sflag:s12] =	ssyncset.done $0x0  }
0x105: {  	v5 =	vimm.f32 $3.000000010e+38;
	[sflag:s12] =	ssyncadd.s32 $0xFFFFF800  }
0x106: {  	_ =	sfence.sel $0x180000  }
0x107: {  	[bflag:$0x0] =	sbarrier.arrive $0xFFFF  }
0x108: {  	p0 =	sne.s32 s1, $0x0;
	_ =	strace $0x90000047  }
0x109: {  	s0 =	sadd.s32 @!p0 $0x100000, s0;
	[bflag:$0x2] =	sbarrier.arrive $0xFFFF  }
0x10a: {  	[sflag:s0] =	ssyncadd.tile.s32 @!p0 $0x1;
	_ =	shalt  }
.Lfunc_end2:
_tile_overlayer_lowered:
.L_overlay_start_2:
0x10b: {  	(tag) =	ssettag $0x2  }
0x10c: {  	s0 =	rddreg [dreg:$0x0];
	s2 =	stileid.u32  }
0x10d: {  	s1 =	rddreg [dreg:$0x1];
	p0 =	sne.s32 s2, $0x0  }
0x10e: {  	s3 =	rddreg [dreg:$0x2];
	[bflag:$0x3] =	sbarrier.arrive $0xFFFF;
	s2 =	simm.s32 @!p0 $0x1C01  }
0x10f: {  	[timem:s3], [sflag:s2] =	dma.local @!p0 [hbm:s0], s1  }
0x110: {  	s0 =	simm.s32 @!p0 $0x1  }
0x111: {  	_ =	swait.ge @!p0 [sflag:s0], s1  }
0x112: {  	s1 =	ssub.s32 @!p0 $0x0, s1;
	[sflag:s0] =	ssyncset.done @!p0 $0x0  }
0x113: {  	[sflag:s0] =	ssyncadd.s32 @!p0 s1  }
0x114: {  	[bflag:$0x3] =	sbarrier.arrive $0xFFFF  }
0x115: {  	_ =	shalt  }

</sc_bundles>
